<compile_context>
chip_gen: v7x
topology: tpu7x:2x2x1
jax: 0.10.2.dev20260603
libtpu: 0.0.44.dev20260713+nightly
codegen_flags: <defaults>
</compile_context>

<pallas_src>
import jax
import jax.numpy as jnp
from jax import lax
from jax.experimental import pallas as pl
from jax.experimental.pallas import tpu as pltpu
from jax.experimental.pallas import tpu_sc as plsc

N_NODES = 10000
N_EDGES = 320000
NC, NS = 2, 16
NW = NC * NS
CHUNK = 256
NS0 = 60
NSR1 = 21
NBUF = 3
NSTREAMS_TOTAL = NS * 2 * NS0
REAL_SLOTS = NS * (NS0 + NSR1) * CHUNK
ACC_ROWS = 10240
ROWS_PER_TILE = ACC_ROWS // NS
DUMMY = N_NODES
DEG_W = 4


def _mesh():
    return plsc.VectorSubcoreMesh(
        core_axis_name="c", subcore_axis_name="s", num_cores=NC, num_subcores=NS
    )




def _load_idx(c, s, a_hbm, av):
    w = c * NS + s
    pltpu.sync_copy(a_hbm.at[pl.ds(w * NS0, NS0)], av)


def _deg_body(dst_hbm, zeros_hbm, ones_hbm, out_hbm, dstv, onesv, acc):
    c = lax.axis_index("c")
    s = lax.axis_index("s")
    w = c * NS + s
    _load_idx(c, s, dst_hbm, dstv)
    pltpu.sync_copy(ones_hbm, onesv)
    pltpu.sync_copy(zeros_hbm, acc.at[pl.ds(s * ROWS_PER_TILE, ROWS_PER_TILE)])
    plsc.subcore_barrier()

    def step(j, carry):
        pltpu.sync_copy(onesv, acc.at[dstv.at[j]], add=True)
        return carry

    lax.fori_loop(0, NS0, step, 0)
    plsc.subcore_barrier()
    pltpu.sync_copy(
        acc.at[pl.ds(s * ROWS_PER_TILE, ROWS_PER_TILE)], out_hbm.at[w]
    )


def _scat_body(
    g_hbm, src_hbm, dst_hbm, zeros_hbm, out_hbm,
    srcv, dstv, bufs, acc, gsems, ssems,
):
    c = lax.axis_index("c")
    s = lax.axis_index("s")
    w = c * NS + s
    _load_idx(c, s, src_hbm, srcv)
    _load_idx(c, s, dst_hbm, dstv)
    pltpu.sync_copy(zeros_hbm, acc.at[pl.ds(s * ROWS_PER_TILE, ROWS_PER_TILE)])
    plsc.subcore_barrier()

    def gather(j, b):
        pltpu.async_copy(g_hbm.at[srcv.at[j]], bufs[b], gsems[b])

    def wait_gather(b):
        pltpu.make_async_copy(g_hbm.at[srcv.at[0]], bufs[b], gsems[b]).wait()

    def scat(j, b):
        pltpu.async_copy(bufs[b], acc.at[dstv.at[j]], ssems[b], add=True)

    def wait_scat(b):
        pltpu.make_async_copy(bufs[b], acc.at[dstv.at[0]], ssems[b]).wait()

    def pipeline(n):
        for k in range(NBUF - 1):
            gather(k, k)

        def step(jo, carry):
            for db in range(NBUF):
                j = jo * NBUF + db
                wait_gather(db)
                jn = j + (NBUF - 1)
                bn = (db + NBUF - 1) % NBUF

                @pl.when(jn < n)
                def _():
                    @pl.when(jn >= NBUF)
                    def _():
                        wait_scat(bn)

                    gather(jn, bn)

                scat(j, db)
            return carry

        lax.fori_loop(0, n // NBUF, step, 0)
        for b in range(NBUF):
            wait_scat(b)

    pipeline(NS0)
    plsc.subcore_barrier()
    pltpu.sync_copy(
        acc.at[pl.ds(s * ROWS_PER_TILE, ROWS_PER_TILE)], out_hbm.at[w]
    )


def _scat_body_wrap(
    g_hbm, src_hbm, dst_hbm, zeros_hbm, out_hbm,
    srcv, dstv, b0, b1, b2, acc, g0, g1, g2, s0, s1, s2,
):
    _scat_body(
        g_hbm, src_hbm, dst_hbm, zeros_hbm, out_hbm,
        srcv, dstv, (b0, b1, b2), acc, (g0, g1, g2), (s0, s1, s2),
    )


def _deg_call(dst_r, zeros_d, ones_d):
    k = pl.kernel(
        _deg_body,
        out_type=jax.ShapeDtypeStruct((NW, ROWS_PER_TILE, DEG_W), jnp.float32),
        mesh=_mesh(),
        scratch_types=[
            pltpu.VMEM((NS0, CHUNK), jnp.int32),
            pltpu.VMEM((CHUNK, DEG_W), jnp.float32),
            pltpu.VMEM_SHARED((ACC_ROWS, DEG_W), jnp.float32),
        ],
        compiler_params=pltpu.CompilerParams(use_tc_tiling_on_sc=False),
    )
    return k(dst_r, zeros_d, ones_d)


def _scat_call(g, src_r, dst_r, zeros64):
    k = pl.kernel(
        _scat_body_wrap,
        out_type=jax.ShapeDtypeStruct((NW, ROWS_PER_TILE, 64), jnp.float32),
        mesh=_mesh(),
        scratch_types=[
            pltpu.VMEM((NS0, CHUNK), jnp.int32),
            pltpu.VMEM((NS0, CHUNK), jnp.int32),
            pltpu.VMEM((CHUNK, 64), jnp.float32),
            pltpu.VMEM((CHUNK, 64), jnp.float32),
            pltpu.VMEM((CHUNK, 64), jnp.float32),
            pltpu.VMEM_SHARED((ACC_ROWS, 64), jnp.float32),
            pltpu.SemaphoreType.DMA,
            pltpu.SemaphoreType.DMA,
            pltpu.SemaphoreType.DMA,
            pltpu.SemaphoreType.DMA,
            pltpu.SemaphoreType.DMA,
            pltpu.SemaphoreType.DMA,
        ],
        compiler_params=pltpu.CompilerParams(use_tc_tiling_on_sc=False),
    )
    return k(g, src_r, dst_r, zeros64)




def _l1_body(x_ref, w_ref, degp_ref, g_ref, dinv_ref):
    deg = (
        degp_ref[0, : N_NODES, 0:1]
        + degp_ref[1, : N_NODES, 0:1]
        + 1.0
    )
    dinv = lax.rsqrt(deg)
    xw = jnp.dot(x_ref[...], w_ref[...], preferred_element_type=jnp.float32)
    gv = xw * dinv
    g_ref[: N_NODES] = gv
    g_ref[N_NODES :] = gv
    dinv_ref[...] = dinv


def _mid_body(accp_ref, gprev_ref, dinv_ref, b_ref, w_ref, g_ref):
    dinv = dinv_ref[...]
    z = (accp_ref[0, : N_NODES] + accp_ref[1, : N_NODES] + gprev_ref[: N_NODES]) * dinv
    r = jnp.maximum(z + b_ref[...], 0.0)
    gv = jnp.dot(r, w_ref[...], preferred_element_type=jnp.float32) * dinv
    g_ref[: N_NODES] = gv
    g_ref[N_NODES :] = gv


def _fin_body(accp_ref, gprev_ref, dinv_ref, b_ref, out_ref):
    z = (accp_ref[0, : N_NODES] + accp_ref[1, : N_NODES] + gprev_ref[: N_NODES]) * dinv_ref[...]
    out_ref[...] = z + b_ref[...]


def _tc(body, out_shapes):
    return pl.pallas_call(body, out_shape=out_shapes)




def kernel(x, edge_index, W1, b1, W2, b2, W3, b3):
    src = edge_index[0]
    dst = edge_index[1]
    pad = REAL_SLOTS - N_EDGES
    pad_dst = DUMMY + jnp.arange(pad, dtype=jnp.int32) % (ACC_ROWS - N_NODES)
    src_p = jnp.concatenate([src, jnp.zeros((pad,), jnp.int32)])
    dst_p = jnp.concatenate([dst, pad_dst])
    e0 = NS * NS0 * CHUNK
    src_c0 = src_p[:e0].reshape(NS, NS0, CHUNK)
    src_c1r = src_p[e0:].reshape(NS, NSR1, CHUNK)
    src_c1d = jnp.zeros((NS, NS0 - NSR1, CHUNK), jnp.int32)
    src_c1 = jnp.concatenate([src_c1r, src_c1d], axis=1)
    dst_c0 = dst_p[:e0].reshape(NS, NS0, CHUNK)
    dst_c1r = dst_p[e0:].reshape(NS, NSR1, CHUNK)
    nd = NS * (NS0 - NSR1) * CHUNK
    dst_c1d = (
        DUMMY + jnp.arange(nd, dtype=jnp.int32) % (ACC_ROWS - N_NODES)
    ).reshape(NS, NS0 - NSR1, CHUNK)
    dst_c1 = jnp.concatenate([dst_c1r, dst_c1d], axis=1)
    src_r = jnp.concatenate([src_c0, src_c1 + N_NODES], axis=0).reshape(
        NSTREAMS_TOTAL, CHUNK
    )
    dst_r = jnp.concatenate([dst_c0, dst_c1], axis=0).reshape(
        NSTREAMS_TOTAL, CHUNK
    )
    zeros64 = jnp.zeros((ROWS_PER_TILE, 64), jnp.float32)
    zeros_d = jnp.zeros((ROWS_PER_TILE, DEG_W), jnp.float32)
    ones_d = jnp.ones((CHUNK, DEG_W), jnp.float32)

    degp = _deg_call(dst_r, zeros_d, ones_d).reshape(NC, ACC_ROWS, DEG_W)

    g1, dinv = _tc(
        _l1_body,
        (
            jax.ShapeDtypeStruct((2 * N_NODES, 64), jnp.float32),
            jax.ShapeDtypeStruct((N_NODES, 1), jnp.float32),
        ),
    )(x, W1, degp)

    a1 = _scat_call(g1, src_r, dst_r, zeros64).reshape(NC, ACC_ROWS, 64)
    g2 = _tc(_mid_body, jax.ShapeDtypeStruct((2 * N_NODES, 64), jnp.float32))(
        a1, g1, dinv, b1.reshape(1, 64), W2
    )

    a2 = _scat_call(g2, src_r, dst_r, zeros64).reshape(NC, ACC_ROWS, 64)
    g3 = _tc(_mid_body, jax.ShapeDtypeStruct((2 * N_NODES, 64), jnp.float32))(
        a2, g2, dinv, b2.reshape(1, 64), W3
    )

    a3 = _scat_call(g3, src_r, dst_r, zeros64).reshape(NC, ACC_ROWS, 64)
    out = _tc(_fin_body, jax.ShapeDtypeStruct((N_NODES, 64), jnp.float32))(
        a3, g3, dinv, b3.reshape(1, 64)
    )
    return out

# --- scband reference (transcript-rebuilt; emitter-appended) ---
"""Pipeline reference for scband-gcnmodel-7773890806163 (READ-ONLY COPY).

The authoritative reference and input builder live on the scoring server;
editing this copy changes nothing except your own understanding.
"""

import jax, jax.numpy as jnp
import numpy as np

N_NODES = 10000
N_EDGES = 320000
IN_DIM = 128
HID_DIM = 64
OUT_DIM = 64


def gcn_conv(x, src, dst, W, b):
    n = x.shape[0]
    # add self loops
    self_idx = jnp.arange(n, dtype=src.dtype)
    s = jnp.concatenate([src, self_idx])
    d = jnp.concatenate([dst, self_idx])
    # symmetric normalization D^{-1/2} A_hat D^{-1/2}
    deg = jnp.zeros((n,), dtype=x.dtype).at[d].add(1.0)
    dinv = jnp.where(deg > 0, 1.0 / jnp.sqrt(deg), 0.0)
    norm = dinv[s] * dinv[d]
    h = x @ W
    msgs = h[s] * norm[:, None]
    out = jnp.zeros((n, W.shape[1]), dtype=x.dtype).at[d].add(msgs)
    return out + b


def setup_inputs(seed: int = 0) -> dict:
    key = jax.random.key(seed)
    ks = [jax.random.fold_in(key, i) for i in range(8)]
    x = jax.random.normal(ks[0], (N_NODES, IN_DIM), dtype=jnp.float32)
    edge_index = jax.random.randint(ks[1], (2, N_EDGES), 0, N_NODES, dtype=jnp.int32)
    W1 = jax.random.normal(ks[2], (IN_DIM, HID_DIM), dtype=jnp.float32) * (1.0 / np.sqrt(IN_DIM))
    b1 = jnp.zeros((HID_DIM,), dtype=jnp.float32)
    W2 = jax.random.normal(ks[3], (HID_DIM, HID_DIM), dtype=jnp.float32) * (1.0 / np.sqrt(HID_DIM))
    b2 = jnp.zeros((HID_DIM,), dtype=jnp.float32)
    W3 = jax.random.normal(ks[4], (HID_DIM, OUT_DIM), dtype=jnp.float32) * (1.0 / np.sqrt(HID_DIM))
    b3 = jnp.zeros((OUT_DIM,), dtype=jnp.float32)
    return {"x": x, "edge_index": edge_index, "W1": W1, "b1": b1, "W2": W2, "b2": b2, "W3": W3, "b3": b3}


def reference(x, edge_index, W1, b1, W2, b2, W3, b3):
    src, dst = edge_index[0], edge_index[1]
    h = gcn_conv(x, src, dst, W1, b1)
    h = jax.nn.relu(h)
    # dropout is identity in eval mode
    h = gcn_conv(h, src, dst, W2, b2)
    h = jax.nn.relu(h)
    out = gcn_conv(h, src, dst, W3, b3)
    return out

if __name__ == "__main__":
    import jax
    _d = setup_inputs()
    print(jax.jit(kernel)(*tuple(_d.values())))

</pallas_src>

<mosaic_0001>
#map = affine_map<(d0, d1) -> (0, 0)>
#map1 = affine_map<(d0, d1) -> (0, 0, 0)>
module attributes {stable_mosaic.version = 14 : i64} {
  func.func @_scat_body_wrap(%arg0: i32, %arg1: i32, %arg2: memref<20000x64xf32, #tpu.memory_space<hbm>>, %arg3: memref<1920x256xi32, #tpu.memory_space<hbm>>, %arg4: memref<1920x256xi32, #tpu.memory_space<hbm>>, %arg5: memref<640x64xf32, #tpu.memory_space<hbm>>, %arg6: memref<32x640x64xf32, #tpu.memory_space<hbm>>, %arg7: memref<60x256xi32, #tpu.memory_space<vmem>>, %arg8: memref<60x256xi32, #tpu.memory_space<vmem>>, %arg9: memref<256x64xf32, #tpu.memory_space<vmem>>, %arg10: memref<256x64xf32, #tpu.memory_space<vmem>>, %arg11: memref<256x64xf32, #tpu.memory_space<vmem>>, %arg12: memref<10240x64xf32, #tpu.memory_space<vmem_shared>>, %arg13: memref<!tpu.dma_semaphore, #tpu.memory_space<semaphore_mem>>, %arg14: memref<!tpu.dma_semaphore, #tpu.memory_space<semaphore_mem>>, %arg15: memref<!tpu.dma_semaphore, #tpu.memory_space<semaphore_mem>>, %arg16: memref<!tpu.dma_semaphore, #tpu.memory_space<semaphore_mem>>, %arg17: memref<!tpu.dma_semaphore, #tpu.memory_space<semaphore_mem>>, %arg18: memref<!tpu.dma_semaphore, #tpu.memory_space<semaphore_mem>>) attributes {dimension_semantics = [#tpu.dimension_semantics<core_parallel>, #tpu.dimension_semantics<subcore_parallel>], iteration_bounds = array<i64: 2, 16>, scalar_prefetch = 0 : i64, scratch_operands = 12 : i64, tpu.core_type = #tpu.core_type<sc_vector_subcore>, window_params = [{transform_indices = #map}, {transform_indices = #map}, {transform_indices = #map}, {transform_indices = #map}, {transform_indices = #map1}]} {
    %mul3A = arith.constant 16 : i32
    %mul3A_0 = arith.muli %arg0, %mul3A : i32
    %add3A = arith.addi %mul3A_0, %arg1 : i32
    %mul3A_1 = arith.constant 16 : i32
    %mul3A_2 = arith.muli %arg0, %mul3A_1 : i32
    %add3A_3 = arith.addi %mul3A_2, %arg1 : i32
    %mul3A_4 = arith.constant 60 : i32
    %mul3A_5 = arith.muli %add3A_3, %mul3A_4 : i32
    "tpu.region"() ({
      %run_scoped3A = tpu.sem_alloc : memref<!tpu.dma_semaphore, #tpu.memory_space<semaphore_mem>>
      %dma_start3A_54 = arith.constant 0 : i32
      %dma_start3A_55 = tpu.memref_slice %arg3[%mul3A_5, %dma_start3A_54] : memref<1920x256xi32, #tpu.memory_space<hbm>> -> memref<60x256xi32, #tpu.memory_space<hbm>>
      %dma_start3A_56 = arith.constant 0 : i32
      %dma_start3A_57 = tpu.memref_slice %arg3[%mul3A_5, %dma_start3A_56] : memref<1920x256xi32, #tpu.memory_space<hbm>> -> memref<60x256xi32, #tpu.memory_space<hbm>>
      tpu.enqueue_dma source(%dma_start3A_57 : memref<60x256xi32, #tpu.memory_space<hbm>>) target(%arg7 : memref<60x256xi32, #tpu.memory_space<vmem>>) target_semaphore(%run_scoped3A : memref<!tpu.dma_semaphore, #tpu.memory_space<semaphore_mem>>)
      %dma_wait3A_58 = arith.constant 0 : i32
      %dma_wait3A_59 = tpu.memref_slice %arg3[%mul3A_5, %dma_wait3A_58] : memref<1920x256xi32, #tpu.memory_space<hbm>> -> memref<60x256xi32, #tpu.memory_space<hbm>>
      %dma_wait3A_60 = arith.constant 0 : i32
      %dma_wait3A_61 = tpu.memref_slice %arg3[%mul3A_5, %dma_wait3A_60] : memref<1920x256xi32, #tpu.memory_space<hbm>> -> memref<60x256xi32, #tpu.memory_space<hbm>>
      tpu.wait_dma2 semaphore(%run_scoped3A : memref<!tpu.dma_semaphore, #tpu.memory_space<semaphore_mem>>) src(%dma_wait3A_61 : memref<60x256xi32, #tpu.memory_space<hbm>>) dst(%arg7 : memref<60x256xi32, #tpu.memory_space<vmem>>)
      tpu.yield
    }) : () -> ()
    %mul3A_6 = arith.constant 16 : i32
    %mul3A_7 = arith.muli %arg0, %mul3A_6 : i32
    %add3A_8 = arith.addi %mul3A_7, %arg1 : i32
    %mul3A_9 = arith.constant 60 : i32
    %mul3A_10 = arith.muli %add3A_8, %mul3A_9 : i32
    "tpu.region"() ({
      %run_scoped3A = tpu.sem_alloc : memref<!tpu.dma_semaphore, #tpu.memory_space<semaphore_mem>>
      %dma_start3A_54 = arith.constant 0 : i32
      %dma_start3A_55 = tpu.memref_slice %arg4[%mul3A_10, %dma_start3A_54] : memref<1920x256xi32, #tpu.memory_space<hbm>> -> memref<60x256xi32, #tpu.memory_space<hbm>>
      %dma_start3A_56 = arith.constant 0 : i32
      %dma_start3A_57 = tpu.memref_slice %arg4[%mul3A_10, %dma_start3A_56] : memref<1920x256xi32, #tpu.memory_space<hbm>> -> memref<60x256xi32, #tpu.memory_space<hbm>>
      tpu.enqueue_dma source(%dma_start3A_57 : memref<60x256xi32, #tpu.memory_space<hbm>>) target(%arg8 : memref<60x256xi32, #tpu.memory_space<vmem>>) target_semaphore(%run_scoped3A : memref<!tpu.dma_semaphore, #tpu.memory_space<semaphore_mem>>)
      %dma_wait3A_58 = arith.constant 0 : i32
      %dma_wait3A_59 = tpu.memref_slice %arg4[%mul3A_10, %dma_wait3A_58] : memref<1920x256xi32, #tpu.memory_space<hbm>> -> memref<60x256xi32, #tpu.memory_space<hbm>>
      %dma_wait3A_60 = arith.constant 0 : i32
      %dma_wait3A_61 = tpu.memref_slice %arg4[%mul3A_10, %dma_wait3A_60] : memref<1920x256xi32, #tpu.memory_space<hbm>> -> memref<60x256xi32, #tpu.memory_space<hbm>>
      tpu.wait_dma2 semaphore(%run_scoped3A : memref<!tpu.dma_semaphore, #tpu.memory_space<semaphore_mem>>) src(%dma_wait3A_61 : memref<60x256xi32, #tpu.memory_space<hbm>>) dst(%arg8 : memref<60x256xi32, #tpu.memory_space<vmem>>)
      tpu.yield
    }) : () -> ()
    %mul3A_11 = arith.constant 640 : i32
    %mul3A_12 = arith.muli %arg1, %mul3A_11 : i32
    "tpu.region"() ({
      %run_scoped3A = tpu.sem_alloc : memref<!tpu.dma_semaphore, #tpu.memory_space<semaphore_mem>>
      %dma_start3A_54 = arith.constant 0 : i32
      %dma_start3A_55 = tpu.memref_slice %arg12[%mul3A_12, %dma_start3A_54] : memref<10240x64xf32, #tpu.memory_space<vmem_shared>> -> memref<640x64xf32, #tpu.memory_space<vmem_shared>>
      tpu.enqueue_dma source(%arg5 : memref<640x64xf32, #tpu.memory_space<hbm>>) target(%dma_start3A_55 : memref<640x64xf32, #tpu.memory_space<vmem_shared>>) target_semaphore(%run_scoped3A : memref<!tpu.dma_semaphore, #tpu.memory_space<semaphore_mem>>)
      %dma_wait3A_56 = arith.constant 0 : i32
      %dma_wait3A_57 = tpu.memref_slice %arg12[%mul3A_12, %dma_wait3A_56] : memref<10240x64xf32, #tpu.memory_space<vmem_shared>> -> memref<640x64xf32, #tpu.memory_space<vmem_shared>>
      tpu.wait_dma2 semaphore(%run_scoped3A : memref<!tpu.dma_semaphore, #tpu.memory_space<semaphore_mem>>) src(%arg5 : memref<640x64xf32, #tpu.memory_space<hbm>>) dst(%dma_wait3A_57 : memref<640x64xf32, #tpu.memory_space<vmem_shared>>)
      tpu.yield
    }) : () -> ()
    %barrier3A = arith.constant 0 : index
    tpu.barrier barrier_id(%barrier3A)
    %dma_start3A = arith.constant 0 : i32
    %dma_start3A_13 = arith.constant 0 : i32
    %dma_start3A_14 = tpu.memref_slice %arg7[%dma_start3A, %dma_start3A_13] : memref<60x256xi32, #tpu.memory_space<vmem>> -> memref<1x256xi32, #tpu.memory_space<vmem>>
    %dma_start3A_15 = tpu.memref_squeeze %dma_start3A_14 : memref<1x256xi32, #tpu.memory_space<vmem>> -> memref<256xi32, #tpu.memory_space<vmem>>
    %dma_start3A_16 = arith.constant 0 : i32
    %dma_start3A_17 = arith.constant 0 : i32
    %dma_start3A_18 = tpu.memref_slice %arg2[%dma_start3A_16, %dma_start3A_17] : memref<20000x64xf32, #tpu.memory_space<hbm>> -> memref<20000x64xf32, #tpu.memory_space<hbm>>
    tpu.enqueue_indirect_dma source(%dma_start3A_18 : memref<20000x64xf32, #tpu.memory_space<hbm>>) target(%arg9 : memref<256x64xf32, #tpu.memory_space<vmem>>) offsets(%dma_start3A_15 : memref<256xi32, #tpu.memory_space<vmem>>) semaphore(%arg13 : memref<!tpu.dma_semaphore, #tpu.memory_space<semaphore_mem>>)
    %dma_start3A_19 = arith.constant 1 : i32
    %dma_start3A_20 = arith.constant 0 : i32
    %dma_start3A_21 = tpu.memref_slice %arg7[%dma_start3A_19, %dma_start3A_20] : memref<60x256xi32, #tpu.memory_space<vmem>> -> memref<1x256xi32, #tpu.memory_space<vmem>>
    %dma_start3A_22 = tpu.memref_squeeze %dma_start3A_21 : memref<1x256xi32, #tpu.memory_space<vmem>> -> memref<256xi32, #tpu.memory_space<vmem>>
    %dma_start3A_23 = arith.constant 0 : i32
    %dma_start3A_24 = arith.constant 0 : i32
    %dma_start3A_25 = tpu.memref_slice %arg2[%dma_start3A_23, %dma_start3A_24] : memref<20000x64xf32, #tpu.memory_space<hbm>> -> memref<20000x64xf32, #tpu.memory_space<hbm>>
    tpu.enqueue_indirect_dma source(%dma_start3A_25 : memref<20000x64xf32, #tpu.memory_space<hbm>>) target(%arg10 : memref<256x64xf32, #tpu.memory_space<vmem>>) offsets(%dma_start3A_22 : memref<256xi32, #tpu.memory_space<vmem>>) semaphore(%arg14 : memref<!tpu.dma_semaphore, #tpu.memory_space<semaphore_mem>>)
    %scan3A = arith.constant 0 : i32
    %scan3A_26 = arith.constant 0 : i32
    %scan3A_27 = arith.constant 20 : i32
    %scan3A_28 = arith.addi %scan3A_26, %scan3A_27 : i32
    %scan3A_29 = arith.constant 1 : i32
    scf.for %scan3A_54 = %scan3A_26 to %scan3A_28 step %scan3A_29  : i32 {
      %mul3A_55 = arith.constant 3 : i32
      %mul3A_56 = arith.muli %scan3A_54, %mul3A_55 : i32
      %add3A_57 = arith.constant 0 : i32
      %add3A_58 = arith.addi %mul3A_56, %add3A_57 : i32
      %dma_wait3A_59 = arith.constant 0 : i32
      %dma_wait3A_60 = arith.constant 0 : i32
      %dma_wait3A_61 = tpu.memref_slice %arg7[%dma_wait3A_59, %dma_wait3A_60] : memref<60x256xi32, #tpu.memory_space<vmem>> -> memref<1x256xi32, #tpu.memory_space<vmem>>
      %dma_wait3A_62 = tpu.memref_squeeze %dma_wait3A_61 : memref<1x256xi32, #tpu.memory_space<vmem>> -> memref<256xi32, #tpu.memory_space<vmem>>
      %dma_wait3A_63 = arith.constant 0 : i32
      %dma_wait3A_64 = arith.constant 0 : i32
      %dma_wait3A_65 = tpu.memref_slice %arg2[%dma_wait3A_63, %dma_wait3A_64] : memref<20000x64xf32, #tpu.memory_space<hbm>> -> memref<20000x64xf32, #tpu.memory_space<hbm>>
      tpu.wait_indirect_dma semaphore(%arg13 : memref<!tpu.dma_semaphore, #tpu.memory_space<semaphore_mem>>) src(%dma_wait3A_65 : memref<20000x64xf32, #tpu.memory_space<hbm>>) dst(%arg9 : memref<256x64xf32, #tpu.memory_space<vmem>>)
      %add3A_66 = arith.constant 2 : i32
      %add3A_67 = arith.addi %add3A_58, %add3A_66 : i32
      %lt3A = arith.constant 60 : i32
      %lt3A_68 = arith.cmpi slt, %add3A_67, %lt3A : i32
      %convert_element_type3A = arith.extui %lt3A_68 : i1 to i32
      %cond3A = arith.constant 0 : i32
      %cond3A_69 = arith.cmpi ne, %convert_element_type3A, %cond3A : i32
      scf.if %cond3A_69 {
        %ge3A = arith.constant 3 : i32
        %ge3A_124 = arith.cmpi sge, %add3A_67, %ge3A : i32
        %convert_element_type3A_125 = arith.extui %ge3A_124 : i1 to i32
        %cond3A_126 = arith.constant 0 : i32
        %cond3A_127 = arith.cmpi ne, %convert_element_type3A_125, %cond3A_126 : i32
        scf.if %cond3A_127 {
          %dma_wait3A_134 = arith.constant 0 : i32
          %dma_wait3A_135 = arith.constant 0 : i32
          %dma_wait3A_136 = tpu.memref_slice %arg8[%dma_wait3A_134, %dma_wait3A_135] : memref<60x256xi32, #tpu.memory_space<vmem>> -> memref<1x256xi32, #tpu.memory_space<vmem>>
          %dma_wait3A_137 = tpu.memref_squeeze %dma_wait3A_136 : memref<1x256xi32, #tpu.memory_space<vmem>> -> memref<256xi32, #tpu.memory_space<vmem>>
          %dma_wait3A_138 = arith.constant 0 : i32
          %dma_wait3A_139 = arith.constant 0 : i32
          %dma_wait3A_140 = tpu.memref_slice %arg12[%dma_wait3A_138, %dma_wait3A_139] : memref<10240x64xf32, #tpu.memory_space<vmem_shared>> -> memref<10240x64xf32, #tpu.memory_space<vmem_shared>>
          tpu.wait_indirect_dma semaphore(%arg18 : memref<!tpu.dma_semaphore, #tpu.memory_space<semaphore_mem>>) src(%arg11 : memref<256x64xf32, #tpu.memory_space<vmem>>) dst(%dma_wait3A_140 : memref<10240x64xf32, #tpu.memory_space<vmem_shared>>)
        } else {
        }
        %dma_start3A_128 = arith.constant 0 : i32
        %dma_start3A_129 = tpu.memref_slice %arg7[%add3A_67, %dma_start3A_128] : memref<60x256xi32, #tpu.memory_space<vmem>> -> memref<1x256xi32, #tpu.memory_space<vmem>>
        %dma_start3A_130 = tpu.memref_squeeze %dma_start3A_129 : memref<1x256xi32, #tpu.memory_space<vmem>> -> memref<256xi32, #tpu.memory_space<vmem>>
        %dma_start3A_131 = arith.constant 0 : i32
        %dma_start3A_132 = arith.constant 0 : i32
        %dma_start3A_133 = tpu.memref_slice %arg2[%dma_start3A_131, %dma_start3A_132] : memref<20000x64xf32, #tpu.memory_space<hbm>> -> memref<20000x64xf32, #tpu.memory_space<hbm>>
        tpu.enqueue_indirect_dma source(%dma_start3A_133 : memref<20000x64xf32, #tpu.memory_space<hbm>>) target(%arg11 : memref<256x64xf32, #tpu.memory_space<vmem>>) offsets(%dma_start3A_130 : memref<256xi32, #tpu.memory_space<vmem>>) semaphore(%arg15 : memref<!tpu.dma_semaphore, #tpu.memory_space<semaphore_mem>>)
      } else {
      }
      %dma_start3A_70 = arith.constant 0 : i32
      %dma_start3A_71 = tpu.memref_slice %arg8[%add3A_58, %dma_start3A_70] : memref<60x256xi32, #tpu.memory_space<vmem>> -> memref<1x256xi32, #tpu.memory_space<vmem>>
      %dma_start3A_72 = tpu.memref_squeeze %dma_start3A_71 : memref<1x256xi32, #tpu.memory_space<vmem>> -> memref<256xi32, #tpu.memory_space<vmem>>
      %dma_start3A_73 = arith.constant 0 : i32
      %dma_start3A_74 = arith.constant 0 : i32
      %dma_start3A_75 = tpu.memref_slice %arg12[%dma_start3A_73, %dma_start3A_74] : memref<10240x64xf32, #tpu.memory_space<vmem_shared>> -> memref<10240x64xf32, #tpu.memory_space<vmem_shared>>
      tpu.enqueue_indirect_dma source(%arg9 : memref<256x64xf32, #tpu.memory_space<vmem>>) target(%dma_start3A_75 : memref<10240x64xf32, #tpu.memory_space<vmem_shared>>) offsets(%dma_start3A_72 : memref<256xi32, #tpu.memory_space<vmem>>) semaphore(%arg16 : memref<!tpu.dma_semaphore, #tpu.memory_space<semaphore_mem>>) {add = true}
      %mul3A_76 = arith.constant 3 : i32
      %mul3A_77 = arith.muli %scan3A_54, %mul3A_76 : i32
      %add3A_78 = arith.constant 1 : i32
      %add3A_79 = arith.addi %mul3A_77, %add3A_78 : i32
      %dma_wait3A_80 = arith.constant 0 : i32
      %dma_wait3A_81 = arith.constant 0 : i32
      %dma_wait3A_82 = tpu.memref_slice %arg7[%dma_wait3A_80, %dma_wait3A_81] : memref<60x256xi32, #tpu.memory_space<vmem>> -> memref<1x256xi32, #tpu.memory_space<vmem>>
      %dma_wait3A_83 = tpu.memref_squeeze %dma_wait3A_82 : memref<1x256xi32, #tpu.memory_space<vmem>> -> memref<256xi32, #tpu.memory_space<vmem>>
      %dma_wait3A_84 = arith.constant 0 : i32
      %dma_wait3A_85 = arith.constant 0 : i32
      %dma_wait3A_86 = tpu.memref_slice %arg2[%dma_wait3A_84, %dma_wait3A_85] : memref<20000x64xf32, #tpu.memory_space<hbm>> -> memref<20000x64xf32, #tpu.memory_space<hbm>>
      tpu.wait_indirect_dma semaphore(%arg14 : memref<!tpu.dma_semaphore, #tpu.memory_space<semaphore_mem>>) src(%dma_wait3A_86 : memref<20000x64xf32, #tpu.memory_space<hbm>>) dst(%arg10 : memref<256x64xf32, #tpu.memory_space<vmem>>)
      %add3A_87 = arith.constant 2 : i32
      %add3A_88 = arith.addi %add3A_79, %add3A_87 : i32
      %lt3A_89 = arith.constant 60 : i32
      %lt3A_90 = arith.cmpi slt, %add3A_88, %lt3A_89 : i32
      %convert_element_type3A_91 = arith.extui %lt3A_90 : i1 to i32
      %cond3A_92 = arith.constant 0 : i32
      %cond3A_93 = arith.cmpi ne, %convert_element_type3A_91, %cond3A_92 : i32
      scf.if %cond3A_93 {
        %ge3A = arith.constant 3 : i32
        %ge3A_124 = arith.cmpi sge, %add3A_88, %ge3A : i32
        %convert_element_type3A_125 = arith.extui %ge3A_124 : i1 to i32
        %cond3A_126 = arith.constant 0 : i32
        %cond3A_127 = arith.cmpi ne, %convert_element_type3A_125, %cond3A_126 : i32
        scf.if %cond3A_127 {
          %dma_wait3A_134 = arith.constant 0 : i32
          %dma_wait3A_135 = arith.constant 0 : i32
          %dma_wait3A_136 = tpu.memref_slice %arg8[%dma_wait3A_134, %dma_wait3A_135] : memref<60x256xi32, #tpu.memory_space<vmem>> -> memref<1x256xi32, #tpu.memory_space<vmem>>
          %dma_wait3A_137 = tpu.memref_squeeze %dma_wait3A_136 : memref<1x256xi32, #tpu.memory_space<vmem>> -> memref<256xi32, #tpu.memory_space<vmem>>
          %dma_wait3A_138 = arith.constant 0 : i32
          %dma_wait3A_139 = arith.constant 0 : i32
          %dma_wait3A_140 = tpu.memref_slice %arg12[%dma_wait3A_138, %dma_wait3A_139] : memref<10240x64xf32, #tpu.memory_space<vmem_shared>> -> memref<10240x64xf32, #tpu.memory_space<vmem_shared>>
          tpu.wait_indirect_dma semaphore(%arg16 : memref<!tpu.dma_semaphore, #tpu.memory_space<semaphore_mem>>) src(%arg9 : memref<256x64xf32, #tpu.memory_space<vmem>>) dst(%dma_wait3A_140 : memref<10240x64xf32, #tpu.memory_space<vmem_shared>>)
        } else {
        }
        %dma_start3A_128 = arith.constant 0 : i32
        %dma_start3A_129 = tpu.memref_slice %arg7[%add3A_88, %dma_start3A_128] : memref<60x256xi32, #tpu.memory_space<vmem>> -> memref<1x256xi32, #tpu.memory_space<vmem>>
        %dma_start3A_130 = tpu.memref_squeeze %dma_start3A_129 : memref<1x256xi32, #tpu.memory_space<vmem>> -> memref<256xi32, #tpu.memory_space<vmem>>
        %dma_start3A_131 = arith.constant 0 : i32
        %dma_start3A_132 = arith.constant 0 : i32
        %dma_start3A_133 = tpu.memref_slice %arg2[%dma_start3A_131, %dma_start3A_132] : memref<20000x64xf32, #tpu.memory_space<hbm>> -> memref<20000x64xf32, #tpu.memory_space<hbm>>
        tpu.enqueue_indirect_dma source(%dma_start3A_133 : memref<20000x64xf32, #tpu.memory_space<hbm>>) target(%arg9 : memref<256x64xf32, #tpu.memory_space<vmem>>) offsets(%dma_start3A_130 : memref<256xi32, #tpu.memory_space<vmem>>) semaphore(%arg13 : memref<!tpu.dma_semaphore, #tpu.memory_space<semaphore_mem>>)
      } else {
      }
      %dma_start3A_94 = arith.constant 0 : i32
      %dma_start3A_95 = tpu.memref_slice %arg8[%add3A_79, %dma_start3A_94] : memref<60x256xi32, #tpu.memory_space<vmem>> -> memref<1x256xi32, #tpu.memory_space<vmem>>
      %dma_start3A_96 = tpu.memref_squeeze %dma_start3A_95 : memref<1x256xi32, #tpu.memory_space<vmem>> -> memref<256xi32, #tpu.memory_space<vmem>>
      %dma_start3A_97 = arith.constant 0 : i32
      %dma_start3A_98 = arith.constant 0 : i32
      %dma_start3A_99 = tpu.memref_slice %arg12[%dma_start3A_97, %dma_start3A_98] : memref<10240x64xf32, #tpu.memory_space<vmem_shared>> -> memref<10240x64xf32, #tpu.memory_space<vmem_shared>>
      tpu.enqueue_indirect_dma source(%arg10 : memref<256x64xf32, #tpu.memory_space<vmem>>) target(%dma_start3A_99 : memref<10240x64xf32, #tpu.memory_space<vmem_shared>>) offsets(%dma_start3A_96 : memref<256xi32, #tpu.memory_space<vmem>>) semaphore(%arg17 : memref<!tpu.dma_semaphore, #tpu.memory_space<semaphore_mem>>) {add = true}
      %mul3A_100 = arith.constant 3 : i32
      %mul3A_101 = arith.muli %scan3A_54, %mul3A_100 : i32
      %add3A_102 = arith.constant 2 : i32
      %add3A_103 = arith.addi %mul3A_101, %add3A_102 : i32
      %dma_wait3A_104 = arith.constant 0 : i32
      %dma_wait3A_105 = arith.constant 0 : i32
      %dma_wait3A_106 = tpu.memref_slice %arg7[%dma_wait3A_104, %dma_wait3A_105] : memref<60x256xi32, #tpu.memory_space<vmem>> -> memref<1x256xi32, #tpu.memory_space<vmem>>
      %dma_wait3A_107 = tpu.memref_squeeze %dma_wait3A_106 : memref<1x256xi32, #tpu.memory_space<vmem>> -> memref<256xi32, #tpu.memory_space<vmem>>
      %dma_wait3A_108 = arith.constant 0 : i32
      %dma_wait3A_109 = arith.constant 0 : i32
      %dma_wait3A_110 = tpu.memref_slice %arg2[%dma_wait3A_108, %dma_wait3A_109] : memref<20000x64xf32, #tpu.memory_space<hbm>> -> memref<20000x64xf32, #tpu.memory_space<hbm>>
      tpu.wait_indirect_dma semaphore(%arg15 : memref<!tpu.dma_semaphore, #tpu.memory_space<semaphore_mem>>) src(%dma_wait3A_110 : memref<20000x64xf32, #tpu.memory_space<hbm>>) dst(%arg11 : memref<256x64xf32, #tpu.memory_space<vmem>>)
      %add3A_111 = arith.constant 2 : i32
      %add3A_112 = arith.addi %add3A_103, %add3A_111 : i32
      %lt3A_113 = arith.constant 60 : i32
      %lt3A_114 = arith.cmpi slt, %add3A_112, %lt3A_113 : i32
      %convert_element_type3A_115 = arith.extui %lt3A_114 : i1 to i32
      %cond3A_116 = arith.constant 0 : i32
      %cond3A_117 = arith.cmpi ne, %convert_element_type3A_115, %cond3A_116 : i32
      scf.if %cond3A_117 {
        %ge3A = arith.constant 3 : i32
        %ge3A_124 = arith.cmpi sge, %add3A_112, %ge3A : i32
        %convert_element_type3A_125 = arith.extui %ge3A_124 : i1 to i32
        %cond3A_126 = arith.constant 0 : i32
        %cond3A_127 = arith.cmpi ne, %convert_element_type3A_125, %cond3A_126 : i32
        scf.if %cond3A_127 {
          %dma_wait3A_134 = arith.constant 0 : i32
          %dma_wait3A_135 = arith.constant 0 : i32
          %dma_wait3A_136 = tpu.memref_slice %arg8[%dma_wait3A_134, %dma_wait3A_135] : memref<60x256xi32, #tpu.memory_space<vmem>> -> memref<1x256xi32, #tpu.memory_space<vmem>>
          %dma_wait3A_137 = tpu.memref_squeeze %dma_wait3A_136 : memref<1x256xi32, #tpu.memory_space<vmem>> -> memref<256xi32, #tpu.memory_space<vmem>>
          %dma_wait3A_138 = arith.constant 0 : i32
          %dma_wait3A_139 = arith.constant 0 : i32
          %dma_wait3A_140 = tpu.memref_slice %arg12[%dma_wait3A_138, %dma_wait3A_139] : memref<10240x64xf32, #tpu.memory_space<vmem_shared>> -> memref<10240x64xf32, #tpu.memory_space<vmem_shared>>
          tpu.wait_indirect_dma semaphore(%arg17 : memref<!tpu.dma_semaphore, #tpu.memory_space<semaphore_mem>>) src(%arg10 : memref<256x64xf32, #tpu.memory_space<vmem>>) dst(%dma_wait3A_140 : memref<10240x64xf32, #tpu.memory_space<vmem_shared>>)
        } else {
        }
        %dma_start3A_128 = arith.constant 0 : i32
        %dma_start3A_129 = tpu.memref_slice %arg7[%add3A_112, %dma_start3A_128] : memref<60x256xi32, #tpu.memory_space<vmem>> -> memref<1x256xi32, #tpu.memory_space<vmem>>
        %dma_start3A_130 = tpu.memref_squeeze %dma_start3A_129 : memref<1x256xi32, #tpu.memory_space<vmem>> -> memref<256xi32, #tpu.memory_space<vmem>>
        %dma_start3A_131 = arith.constant 0 : i32
        %dma_start3A_132 = arith.constant 0 : i32
        %dma_start3A_133 = tpu.memref_slice %arg2[%dma_start3A_131, %dma_start3A_132] : memref<20000x64xf32, #tpu.memory_space<hbm>> -> memref<20000x64xf32, #tpu.memory_space<hbm>>
        tpu.enqueue_indirect_dma source(%dma_start3A_133 : memref<20000x64xf32, #tpu.memory_space<hbm>>) target(%arg10 : memref<256x64xf32, #tpu.memory_space<vmem>>) offsets(%dma_start3A_130 : memref<256xi32, #tpu.memory_space<vmem>>) semaphore(%arg14 : memref<!tpu.dma_semaphore, #tpu.memory_space<semaphore_mem>>)
      } else {
      }
      %dma_start3A_118 = arith.constant 0 : i32
      %dma_start3A_119 = tpu.memref_slice %arg8[%add3A_103, %dma_start3A_118] : memref<60x256xi32, #tpu.memory_space<vmem>> -> memref<1x256xi32, #tpu.memory_space<vmem>>
      %dma_start3A_120 = tpu.memref_squeeze %dma_start3A_119 : memref<1x256xi32, #tpu.memory_space<vmem>> -> memref<256xi32, #tpu.memory_space<vmem>>
      %dma_start3A_121 = arith.constant 0 : i32
      %dma_start3A_122 = arith.constant 0 : i32
      %dma_start3A_123 = tpu.memref_slice %arg12[%dma_start3A_121, %dma_start3A_122] : memref<10240x64xf32, #tpu.memory_space<vmem_shared>> -> memref<10240x64xf32, #tpu.memory_space<vmem_shared>>
      tpu.enqueue_indirect_dma source(%arg11 : memref<256x64xf32, #tpu.memory_space<vmem>>) target(%dma_start3A_123 : memref<10240x64xf32, #tpu.memory_space<vmem_shared>>) offsets(%dma_start3A_120 : memref<256xi32, #tpu.memory_space<vmem>>) semaphore(%arg18 : memref<!tpu.dma_semaphore, #tpu.memory_space<semaphore_mem>>) {add = true}
    }
    %scan3A_30 = arith.constant 20 : i32
    %dma_wait3A = arith.constant 0 : i32
    %dma_wait3A_31 = arith.constant 0 : i32
    %dma_wait3A_32 = tpu.memref_slice %arg8[%dma_wait3A, %dma_wait3A_31] : memref<60x256xi32, #tpu.memory_space<vmem>> -> memref<1x256xi32, #tpu.memory_space<vmem>>
    %dma_wait3A_33 = tpu.memref_squeeze %dma_wait3A_32 : memref<1x256xi32, #tpu.memory_space<vmem>> -> memref<256xi32, #tpu.memory_space<vmem>>
    %dma_wait3A_34 = arith.constant 0 : i32
    %dma_wait3A_35 = arith.constant 0 : i32
    %dma_wait3A_36 = tpu.memref_slice %arg12[%dma_wait3A_34, %dma_wait3A_35] : memref<10240x64xf32, #tpu.memory_space<vmem_shared>> -> memref<10240x64xf32, #tpu.memory_space<vmem_shared>>
    tpu.wait_indirect_dma semaphore(%arg16 : memref<!tpu.dma_semaphore, #tpu.memory_space<semaphore_mem>>) src(%arg9 : memref<256x64xf32, #tpu.memory_space<vmem>>) dst(%dma_wait3A_36 : memref<10240x64xf32, #tpu.memory_space<vmem_shared>>)
    %dma_wait3A_37 = arith.constant 0 : i32
    %dma_wait3A_38 = arith.constant 0 : i32
    %dma_wait3A_39 = tpu.memref_slice %arg8[%dma_wait3A_37, %dma_wait3A_38] : memref<60x256xi32, #tpu.memory_space<vmem>> -> memref<1x256xi32, #tpu.memory_space<vmem>>
    %dma_wait3A_40 = tpu.memref_squeeze %dma_wait3A_39 : memref<1x256xi32, #tpu.memory_space<vmem>> -> memref<256xi32, #tpu.memory_space<vmem>>
    %dma_wait3A_41 = arith.constant 0 : i32
    %dma_wait3A_42 = arith.constant 0 : i32
    %dma_wait3A_43 = tpu.memref_slice %arg12[%dma_wait3A_41, %dma_wait3A_42] : memref<10240x64xf32, #tpu.memory_space<vmem_shared>> -> memref<10240x64xf32, #tpu.memory_space<vmem_shared>>
    tpu.wait_indirect_dma semaphore(%arg17 : memref<!tpu.dma_semaphore, #tpu.memory_space<semaphore_mem>>) src(%arg10 : memref<256x64xf32, #tpu.memory_space<vmem>>) dst(%dma_wait3A_43 : memref<10240x64xf32, #tpu.memory_space<vmem_shared>>)
    %dma_wait3A_44 = arith.constant 0 : i32
    %dma_wait3A_45 = arith.constant 0 : i32
    %dma_wait3A_46 = tpu.memref_slice %arg8[%dma_wait3A_44, %dma_wait3A_45] : memref<60x256xi32, #tpu.memory_space<vmem>> -> memref<1x256xi32, #tpu.memory_space<vmem>>
    %dma_wait3A_47 = tpu.memref_squeeze %dma_wait3A_46 : memref<1x256xi32, #tpu.memory_space<vmem>> -> memref<256xi32, #tpu.memory_space<vmem>>
    %dma_wait3A_48 = arith.constant 0 : i32
    %dma_wait3A_49 = arith.constant 0 : i32
    %dma_wait3A_50 = tpu.memref_slice %arg12[%dma_wait3A_48, %dma_wait3A_49] : memref<10240x64xf32, #tpu.memory_space<vmem_shared>> -> memref<10240x64xf32, #tpu.memory_space<vmem_shared>>
    tpu.wait_indirect_dma semaphore(%arg18 : memref<!tpu.dma_semaphore, #tpu.memory_space<semaphore_mem>>) src(%arg11 : memref<256x64xf32, #tpu.memory_space<vmem>>) dst(%dma_wait3A_50 : memref<10240x64xf32, #tpu.memory_space<vmem_shared>>)
    %barrier3A_51 = arith.constant 0 : index
    tpu.barrier barrier_id(%barrier3A_51)
    %mul3A_52 = arith.constant 640 : i32
    %mul3A_53 = arith.muli %arg1, %mul3A_52 : i32
    "tpu.region"() ({
      %run_scoped3A = tpu.sem_alloc : memref<!tpu.dma_semaphore, #tpu.memory_space<semaphore_mem>>
      %dma_start3A_54 = arith.constant 0 : i32
      %dma_start3A_55 = arith.constant 0 : i32
      %dma_start3A_56 = tpu.memref_slice %arg6[%add3A, %dma_start3A_54, %dma_start3A_55] : memref<32x640x64xf32, #tpu.memory_space<hbm>> -> memref<1x640x64xf32, #tpu.memory_space<hbm>>
      %dma_start3A_57 = tpu.memref_squeeze %dma_start3A_56 : memref<1x640x64xf32, #tpu.memory_space<hbm>> -> memref<640x64xf32, #tpu.memory_space<hbm>>
      %dma_start3A_58 = arith.constant 0 : i32
      %dma_start3A_59 = tpu.memref_slice %arg12[%mul3A_53, %dma_start3A_58] : memref<10240x64xf32, #tpu.memory_space<vmem_shared>> -> memref<640x64xf32, #tpu.memory_space<vmem_shared>>
      tpu.enqueue_dma source(%dma_start3A_59 : memref<640x64xf32, #tpu.memory_space<vmem_shared>>) target(%dma_start3A_57 : memref<640x64xf32, #tpu.memory_space<hbm>>) target_semaphore(%run_scoped3A : memref<!tpu.dma_semaphore, #tpu.memory_space<semaphore_mem>>)
      %dma_wait3A_60 = arith.constant 0 : i32
      %dma_wait3A_61 = arith.constant 0 : i32
      %dma_wait3A_62 = tpu.memref_slice %arg6[%add3A, %dma_wait3A_60, %dma_wait3A_61] : memref<32x640x64xf32, #tpu.memory_space<hbm>> -> memref<1x640x64xf32, #tpu.memory_space<hbm>>
      %dma_wait3A_63 = tpu.memref_squeeze %dma_wait3A_62 : memref<1x640x64xf32, #tpu.memory_space<hbm>> -> memref<640x64xf32, #tpu.memory_space<hbm>>
      %dma_wait3A_64 = arith.constant 0 : i32
      %dma_wait3A_65 = tpu.memref_slice %arg12[%mul3A_53, %dma_wait3A_64] : memref<10240x64xf32, #tpu.memory_space<vmem_shared>> -> memref<640x64xf32, #tpu.memory_space<vmem_shared>>
      tpu.wait_dma2 semaphore(%run_scoped3A : memref<!tpu.dma_semaphore, #tpu.memory_space<semaphore_mem>>) src(%dma_wait3A_65 : memref<640x64xf32, #tpu.memory_space<vmem_shared>>) dst(%dma_wait3A_63 : memref<640x64xf32, #tpu.memory_space<hbm>>)
      tpu.yield
    }) : () -> ()
    return
  }
}

#map = affine_map<(d0, d1) -> (0, 0)>
#map1 = affine_map<(d0, d1) -> (0, 0, 0)>
module attributes {stable_mosaic.version = 14 : i64} {
  func.func @_deg_body(%arg0: i32, %arg1: i32, %arg2: memref<1920x256xi32, #tpu.memory_space<hbm>>, %arg3: memref<640x4xf32, #tpu.memory_space<hbm>>, %arg4: memref<256x4xf32, #tpu.memory_space<hbm>>, %arg5: memref<32x640x4xf32, #tpu.memory_space<hbm>>, %arg6: memref<60x256xi32, #tpu.memory_space<vmem>>, %arg7: memref<256x4xf32, #tpu.memory_space<vmem>>, %arg8: memref<10240x4xf32, #tpu.memory_space<vmem_shared>>) attributes {dimension_semantics = [#tpu.dimension_semantics<core_parallel>, #tpu.dimension_semantics<subcore_parallel>], iteration_bounds = array<i64: 2, 16>, scalar_prefetch = 0 : i64, scratch_operands = 3 : i64, tpu.core_type = #tpu.core_type<sc_vector_subcore>, window_params = [{transform_indices = #map}, {transform_indices = #map}, {transform_indices = #map}, {transform_indices = #map1}]} {
    %mul3A = arith.constant 16 : i32
    %mul3A_0 = arith.muli %arg0, %mul3A : i32
    %add3A = arith.addi %mul3A_0, %arg1 : i32
    %mul3A_1 = arith.constant 16 : i32
    %mul3A_2 = arith.muli %arg0, %mul3A_1 : i32
    %add3A_3 = arith.addi %mul3A_2, %arg1 : i32
    %mul3A_4 = arith.constant 60 : i32
    %mul3A_5 = arith.muli %add3A_3, %mul3A_4 : i32
    "tpu.region"() ({
      %run_scoped3A = tpu.sem_alloc : memref<!tpu.dma_semaphore, #tpu.memory_space<semaphore_mem>>
      %dma_start3A = arith.constant 0 : i32
      %dma_start3A_16 = tpu.memref_slice %arg2[%mul3A_5, %dma_start3A] : memref<1920x256xi32, #tpu.memory_space<hbm>> -> memref<60x256xi32, #tpu.memory_space<hbm>>
      %dma_start3A_17 = arith.constant 0 : i32
      %dma_start3A_18 = tpu.memref_slice %arg2[%mul3A_5, %dma_start3A_17] : memref<1920x256xi32, #tpu.memory_space<hbm>> -> memref<60x256xi32, #tpu.memory_space<hbm>>
      tpu.enqueue_dma source(%dma_start3A_18 : memref<60x256xi32, #tpu.memory_space<hbm>>) target(%arg6 : memref<60x256xi32, #tpu.memory_space<vmem>>) target_semaphore(%run_scoped3A : memref<!tpu.dma_semaphore, #tpu.memory_space<semaphore_mem>>)
      %dma_wait3A = arith.constant 0 : i32
      %dma_wait3A_19 = tpu.memref_slice %arg2[%mul3A_5, %dma_wait3A] : memref<1920x256xi32, #tpu.memory_space<hbm>> -> memref<60x256xi32, #tpu.memory_space<hbm>>
      %dma_wait3A_20 = arith.constant 0 : i32
      %dma_wait3A_21 = tpu.memref_slice %arg2[%mul3A_5, %dma_wait3A_20] : memref<1920x256xi32, #tpu.memory_space<hbm>> -> memref<60x256xi32, #tpu.memory_space<hbm>>
      tpu.wait_dma2 semaphore(%run_scoped3A : memref<!tpu.dma_semaphore, #tpu.memory_space<semaphore_mem>>) src(%dma_wait3A_21 : memref<60x256xi32, #tpu.memory_space<hbm>>) dst(%arg6 : memref<60x256xi32, #tpu.memory_space<vmem>>)
      tpu.yield
    }) : () -> ()
    "tpu.region"() ({
      %run_scoped3A = tpu.sem_alloc : memref<!tpu.dma_semaphore, #tpu.memory_space<semaphore_mem>>
      tpu.enqueue_dma source(%arg4 : memref<256x4xf32, #tpu.memory_space<hbm>>) target(%arg7 : memref<256x4xf32, #tpu.memory_space<vmem>>) target_semaphore(%run_scoped3A : memref<!tpu.dma_semaphore, #tpu.memory_space<semaphore_mem>>)
      tpu.wait_dma2 semaphore(%run_scoped3A : memref<!tpu.dma_semaphore, #tpu.memory_space<semaphore_mem>>) src(%arg4 : memref<256x4xf32, #tpu.memory_space<hbm>>) dst(%arg7 : memref<256x4xf32, #tpu.memory_space<vmem>>)
      tpu.yield
    }) : () -> ()
    %mul3A_6 = arith.constant 640 : i32
    %mul3A_7 = arith.muli %arg1, %mul3A_6 : i32
    "tpu.region"() ({
      %run_scoped3A = tpu.sem_alloc : memref<!tpu.dma_semaphore, #tpu.memory_space<semaphore_mem>>
      %dma_start3A = arith.constant 0 : i32
      %dma_start3A_16 = tpu.memref_slice %arg8[%mul3A_7, %dma_start3A] : memref<10240x4xf32, #tpu.memory_space<vmem_shared>> -> memref<640x4xf32, #tpu.memory_space<vmem_shared>>
      tpu.enqueue_dma source(%arg3 : memref<640x4xf32, #tpu.memory_space<hbm>>) target(%dma_start3A_16 : memref<640x4xf32, #tpu.memory_space<vmem_shared>>) target_semaphore(%run_scoped3A : memref<!tpu.dma_semaphore, #tpu.memory_space<semaphore_mem>>)
      %dma_wait3A = arith.constant 0 : i32
      %dma_wait3A_17 = tpu.memref_slice %arg8[%mul3A_7, %dma_wait3A] : memref<10240x4xf32, #tpu.memory_space<vmem_shared>> -> memref<640x4xf32, #tpu.memory_space<vmem_shared>>
      tpu.wait_dma2 semaphore(%run_scoped3A : memref<!tpu.dma_semaphore, #tpu.memory_space<semaphore_mem>>) src(%arg3 : memref<640x4xf32, #tpu.memory_space<hbm>>) dst(%dma_wait3A_17 : memref<640x4xf32, #tpu.memory_space<vmem_shared>>)
      tpu.yield
    }) : () -> ()
    %barrier3A = arith.constant 0 : index
    tpu.barrier barrier_id(%barrier3A)
    %scan3A = arith.constant 0 : i32
    %scan3A_8 = arith.constant 0 : i32
    %scan3A_9 = arith.constant 60 : i32
    %scan3A_10 = arith.addi %scan3A_8, %scan3A_9 : i32
    %scan3A_11 = arith.constant 1 : i32
    scf.for %scan3A_16 = %scan3A_8 to %scan3A_10 step %scan3A_11  : i32 {
      "tpu.region"() ({
        %run_scoped3A = tpu.sem_alloc : memref<!tpu.dma_semaphore, #tpu.memory_space<semaphore_mem>>
        %dma_start3A = arith.constant 0 : i32
        %dma_start3A_17 = tpu.memref_slice %arg6[%scan3A_16, %dma_start3A] : memref<60x256xi32, #tpu.memory_space<vmem>> -> memref<1x256xi32, #tpu.memory_space<vmem>>
        %dma_start3A_18 = tpu.memref_squeeze %dma_start3A_17 : memref<1x256xi32, #tpu.memory_space<vmem>> -> memref<256xi32, #tpu.memory_space<vmem>>
        %dma_start3A_19 = arith.constant 0 : i32
        %dma_start3A_20 = arith.constant 0 : i32
        %dma_start3A_21 = tpu.memref_slice %arg8[%dma_start3A_19, %dma_start3A_20] : memref<10240x4xf32, #tpu.memory_space<vmem_shared>> -> memref<10240x4xf32, #tpu.memory_space<vmem_shared>>
        tpu.enqueue_indirect_dma source(%arg7 : memref<256x4xf32, #tpu.memory_space<vmem>>) target(%dma_start3A_21 : memref<10240x4xf32, #tpu.memory_space<vmem_shared>>) offsets(%dma_start3A_18 : memref<256xi32, #tpu.memory_space<vmem>>) semaphore(%run_scoped3A : memref<!tpu.dma_semaphore, #tpu.memory_space<semaphore_mem>>) {add = true}
        %dma_wait3A = arith.constant 0 : i32
        %dma_wait3A_22 = tpu.memref_slice %arg6[%scan3A_16, %dma_wait3A] : memref<60x256xi32, #tpu.memory_space<vmem>> -> memref<1x256xi32, #tpu.memory_space<vmem>>
        %dma_wait3A_23 = tpu.memref_squeeze %dma_wait3A_22 : memref<1x256xi32, #tpu.memory_space<vmem>> -> memref<256xi32, #tpu.memory_space<vmem>>
        %dma_wait3A_24 = arith.constant 0 : i32
        %dma_wait3A_25 = arith.constant 0 : i32
        %dma_wait3A_26 = tpu.memref_slice %arg8[%dma_wait3A_24, %dma_wait3A_25] : memref<10240x4xf32, #tpu.memory_space<vmem_shared>> -> memref<10240x4xf32, #tpu.memory_space<vmem_shared>>
        tpu.wait_indirect_dma semaphore(%run_scoped3A : memref<!tpu.dma_semaphore, #tpu.memory_space<semaphore_mem>>) src(%arg7 : memref<256x4xf32, #tpu.memory_space<vmem>>) dst(%dma_wait3A_26 : memref<10240x4xf32, #tpu.memory_space<vmem_shared>>)
        tpu.yield
      }) : () -> ()
    }
    %scan3A_12 = arith.constant 60 : i32
    %barrier3A_13 = arith.constant 0 : index
    tpu.barrier barrier_id(%barrier3A_13)
    %mul3A_14 = arith.constant 640 : i32
    %mul3A_15 = arith.muli %arg1, %mul3A_14 : i32
    "tpu.region"() ({
      %run_scoped3A = tpu.sem_alloc : memref<!tpu.dma_semaphore, #tpu.memory_space<semaphore_mem>>
      %dma_start3A = arith.constant 0 : i32
      %dma_start3A_16 = arith.constant 0 : i32
      %dma_start3A_17 = tpu.memref_slice %arg5[%add3A, %dma_start3A, %dma_start3A_16] : memref<32x640x4xf32, #tpu.memory_space<hbm>> -> memref<1x640x4xf32, #tpu.memory_space<hbm>>
      %dma_start3A_18 = tpu.memref_squeeze %dma_start3A_17 : memref<1x640x4xf32, #tpu.memory_space<hbm>> -> memref<640x4xf32, #tpu.memory_space<hbm>>
      %dma_start3A_19 = arith.constant 0 : i32
      %dma_start3A_20 = tpu.memref_slice %arg8[%mul3A_15, %dma_start3A_19] : memref<10240x4xf32, #tpu.memory_space<vmem_shared>> -> memref<640x4xf32, #tpu.memory_space<vmem_shared>>
      tpu.enqueue_dma source(%dma_start3A_20 : memref<640x4xf32, #tpu.memory_space<vmem_shared>>) target(%dma_start3A_18 : memref<640x4xf32, #tpu.memory_space<hbm>>) target_semaphore(%run_scoped3A : memref<!tpu.dma_semaphore, #tpu.memory_space<semaphore_mem>>)
      %dma_wait3A = arith.constant 0 : i32
      %dma_wait3A_21 = arith.constant 0 : i32
      %dma_wait3A_22 = tpu.memref_slice %arg5[%add3A, %dma_wait3A, %dma_wait3A_21] : memref<32x640x4xf32, #tpu.memory_space<hbm>> -> memref<1x640x4xf32, #tpu.memory_space<hbm>>
      %dma_wait3A_23 = tpu.memref_squeeze %dma_wait3A_22 : memref<1x640x4xf32, #tpu.memory_space<hbm>> -> memref<640x4xf32, #tpu.memory_space<hbm>>
      %dma_wait3A_24 = arith.constant 0 : i32
      %dma_wait3A_25 = tpu.memref_slice %arg8[%mul3A_15, %dma_wait3A_24] : memref<10240x4xf32, #tpu.memory_space<vmem_shared>> -> memref<640x4xf32, #tpu.memory_space<vmem_shared>>
      tpu.wait_dma2 semaphore(%run_scoped3A : memref<!tpu.dma_semaphore, #tpu.memory_space<semaphore_mem>>) src(%dma_wait3A_25 : memref<640x4xf32, #tpu.memory_space<vmem_shared>>) dst(%dma_wait3A_23 : memref<640x4xf32, #tpu.memory_space<hbm>>)
      tpu.yield
    }) : () -> ()
    return
  }
}

#map = affine_map<(d0, d1) -> (0, 0)>
#map1 = affine_map<(d0, d1) -> (0, 0, 0)>
module attributes {stable_mosaic.version = 14 : i64} {
  func.func @_scat_body_wrap(%arg0: i32, %arg1: i32, %arg2: memref<20000x64xf32, #tpu.memory_space<hbm>>, %arg3: memref<1920x256xi32, #tpu.memory_space<hbm>>, %arg4: memref<1920x256xi32, #tpu.memory_space<hbm>>, %arg5: memref<640x64xf32, #tpu.memory_space<hbm>>, %arg6: memref<32x640x64xf32, #tpu.memory_space<hbm>>, %arg7: memref<60x256xi32, #tpu.memory_space<vmem>>, %arg8: memref<60x256xi32, #tpu.memory_space<vmem>>, %arg9: memref<256x64xf32, #tpu.memory_space<vmem>>, %arg10: memref<256x64xf32, #tpu.memory_space<vmem>>, %arg11: memref<256x64xf32, #tpu.memory_space<vmem>>, %arg12: memref<10240x64xf32, #tpu.memory_space<vmem_shared>>, %arg13: memref<!tpu.dma_semaphore, #tpu.memory_space<semaphore_mem>>, %arg14: memref<!tpu.dma_semaphore, #tpu.memory_space<semaphore_mem>>, %arg15: memref<!tpu.dma_semaphore, #tpu.memory_space<semaphore_mem>>, %arg16: memref<!tpu.dma_semaphore, #tpu.memory_space<semaphore_mem>>, %arg17: memref<!tpu.dma_semaphore, #tpu.memory_space<semaphore_mem>>, %arg18: memref<!tpu.dma_semaphore, #tpu.memory_space<semaphore_mem>>) attributes {dimension_semantics = [#tpu.dimension_semantics<core_parallel>, #tpu.dimension_semantics<subcore_parallel>], iteration_bounds = array<i64: 2, 16>, scalar_prefetch = 0 : i64, scratch_operands = 12 : i64, tpu.core_type = #tpu.core_type<sc_vector_subcore>, window_params = [{transform_indices = #map}, {transform_indices = #map}, {transform_indices = #map}, {transform_indices = #map}, {transform_indices = #map1}]} {
    %mul3A = arith.constant 16 : i32
    %mul3A_0 = arith.muli %arg0, %mul3A : i32
    %add3A = arith.addi %mul3A_0, %arg1 : i32
    %mul3A_1 = arith.constant 16 : i32
    %mul3A_2 = arith.muli %arg0, %mul3A_1 : i32
    %add3A_3 = arith.addi %mul3A_2, %arg1 : i32
    %mul3A_4 = arith.constant 60 : i32
    %mul3A_5 = arith.muli %add3A_3, %mul3A_4 : i32
    "tpu.region"() ({
      %run_scoped3A = tpu.sem_alloc : memref<!tpu.dma_semaphore, #tpu.memory_space<semaphore_mem>>
      %dma_start3A_54 = arith.constant 0 : i32
      %dma_start3A_55 = tpu.memref_slice %arg3[%mul3A_5, %dma_start3A_54] : memref<1920x256xi32, #tpu.memory_space<hbm>> -> memref<60x256xi32, #tpu.memory_space<hbm>>
      %dma_start3A_56 = arith.constant 0 : i32
      %dma_start3A_57 = tpu.memref_slice %arg3[%mul3A_5, %dma_start3A_56] : memref<1920x256xi32, #tpu.memory_space<hbm>> -> memref<60x256xi32, #tpu.memory_space<hbm>>
      tpu.enqueue_dma source(%dma_start3A_57 : memref<60x256xi32, #tpu.memory_space<hbm>>) target(%arg7 : memref<60x256xi32, #tpu.memory_space<vmem>>) target_semaphore(%run_scoped3A : memref<!tpu.dma_semaphore, #tpu.memory_space<semaphore_mem>>)
      %dma_wait3A_58 = arith.constant 0 : i32
      %dma_wait3A_59 = tpu.memref_slice %arg3[%mul3A_5, %dma_wait3A_58] : memref<1920x256xi32, #tpu.memory_space<hbm>> -> memref<60x256xi32, #tpu.memory_space<hbm>>
      %dma_wait3A_60 = arith.constant 0 : i32
      %dma_wait3A_61 = tpu.memref_slice %arg3[%mul3A_5, %dma_wait3A_60] : memref<1920x256xi32, #tpu.memory_space<hbm>> -> memref<60x256xi32, #tpu.memory_space<hbm>>
      tpu.wait_dma2 semaphore(%run_scoped3A : memref<!tpu.dma_semaphore, #tpu.memory_space<semaphore_mem>>) src(%dma_wait3A_61 : memref<60x256xi32, #tpu.memory_space<hbm>>) dst(%arg7 : memref<60x256xi32, #tpu.memory_space<vmem>>)
      tpu.yield
    }) : () -> ()
    %mul3A_6 = arith.constant 16 : i32
    %mul3A_7 = arith.muli %arg0, %mul3A_6 : i32
    %add3A_8 = arith.addi %mul3A_7, %arg1 : i32
    %mul3A_9 = arith.constant 60 : i32
    %mul3A_10 = arith.muli %add3A_8, %mul3A_9 : i32
    "tpu.region"() ({
      %run_scoped3A = tpu.sem_alloc : memref<!tpu.dma_semaphore, #tpu.memory_space<semaphore_mem>>
      %dma_start3A_54 = arith.constant 0 : i32
      %dma_start3A_55 = tpu.memref_slice %arg4[%mul3A_10, %dma_start3A_54] : memref<1920x256xi32, #tpu.memory_space<hbm>> -> memref<60x256xi32, #tpu.memory_space<hbm>>
      %dma_start3A_56 = arith.constant 0 : i32
      %dma_start3A_57 = tpu.memref_slice %arg4[%mul3A_10, %dma_start3A_56] : memref<1920x256xi32, #tpu.memory_space<hbm>> -> memref<60x256xi32, #tpu.memory_space<hbm>>
      tpu.enqueue_dma source(%dma_start3A_57 : memref<60x256xi32, #tpu.memory_space<hbm>>) target(%arg8 : memref<60x256xi32, #tpu.memory_space<vmem>>) target_semaphore(%run_scoped3A : memref<!tpu.dma_semaphore, #tpu.memory_space<semaphore_mem>>)
      %dma_wait3A_58 = arith.constant 0 : i32
      %dma_wait3A_59 = tpu.memref_slice %arg4[%mul3A_10, %dma_wait3A_58] : memref<1920x256xi32, #tpu.memory_space<hbm>> -> memref<60x256xi32, #tpu.memory_space<hbm>>
      %dma_wait3A_60 = arith.constant 0 : i32
      %dma_wait3A_61 = tpu.memref_slice %arg4[%mul3A_10, %dma_wait3A_60] : memref<1920x256xi32, #tpu.memory_space<hbm>> -> memref<60x256xi32, #tpu.memory_space<hbm>>
      tpu.wait_dma2 semaphore(%run_scoped3A : memref<!tpu.dma_semaphore, #tpu.memory_space<semaphore_mem>>) src(%dma_wait3A_61 : memref<60x256xi32, #tpu.memory_space<hbm>>) dst(%arg8 : memref<60x256xi32, #tpu.memory_space<vmem>>)
      tpu.yield
    }) : () -> ()
    %mul3A_11 = arith.constant 640 : i32
    %mul3A_12 = arith.muli %arg1, %mul3A_11 : i32
    "tpu.region"() ({
      %run_scoped3A = tpu.sem_alloc : memref<!tpu.dma_semaphore, #tpu.memory_space<semaphore_mem>>
      %dma_start3A_54 = arith.constant 0 : i32
      %dma_start3A_55 = tpu.memref_slice %arg12[%mul3A_12, %dma_start3A_54] : memref<10240x64xf32, #tpu.memory_space<vmem_shared>> -> memref<640x64xf32, #tpu.memory_space<vmem_shared>>
      tpu.enqueue_dma source(%arg5 : memref<640x64xf32, #tpu.memory_space<hbm>>) target(%dma_start3A_55 : memref<640x64xf32, #tpu.memory_space<vmem_shared>>) target_semaphore(%run_scoped3A : memref<!tpu.dma_semaphore, #tpu.memory_space<semaphore_mem>>)
      %dma_wait3A_56 = arith.constant 0 : i32
      %dma_wait3A_57 = tpu.memref_slice %arg12[%mul3A_12, %dma_wait3A_56] : memref<10240x64xf32, #tpu.memory_space<vmem_shared>> -> memref<640x64xf32, #tpu.memory_space<vmem_shared>>
      tpu.wait_dma2 semaphore(%run_scoped3A : memref<!tpu.dma_semaphore, #tpu.memory_space<semaphore_mem>>) src(%arg5 : memref<640x64xf32, #tpu.memory_space<hbm>>) dst(%dma_wait3A_57 : memref<640x64xf32, #tpu.memory_space<vmem_shared>>)
      tpu.yield
    }) : () -> ()
    %barrier3A = arith.constant 0 : index
    tpu.barrier barrier_id(%barrier3A)
    %dma_start3A = arith.constant 0 : i32
    %dma_start3A_13 = arith.constant 0 : i32
    %dma_start3A_14 = tpu.memref_slice %arg7[%dma_start3A, %dma_start3A_13] : memref<60x256xi32, #tpu.memory_space<vmem>> -> memref<1x256xi32, #tpu.memory_space<vmem>>
    %dma_start3A_15 = tpu.memref_squeeze %dma_start3A_14 : memref<1x256xi32, #tpu.memory_space<vmem>> -> memref<256xi32, #tpu.memory_space<vmem>>
    %dma_start3A_16 = arith.constant 0 : i32
    %dma_start3A_17 = arith.constant 0 : i32
    %dma_start3A_18 = tpu.memref_slice %arg2[%dma_start3A_16, %dma_start3A_17] : memref<20000x64xf32, #tpu.memory_space<hbm>> -> memref<20000x64xf32, #tpu.memory_space<hbm>>
    tpu.enqueue_indirect_dma source(%dma_start3A_18 : memref<20000x64xf32, #tpu.memory_space<hbm>>) target(%arg9 : memref<256x64xf32, #tpu.memory_space<vmem>>) offsets(%dma_start3A_15 : memref<256xi32, #tpu.memory_space<vmem>>) semaphore(%arg13 : memref<!tpu.dma_semaphore, #tpu.memory_space<semaphore_mem>>)
    %dma_start3A_19 = arith.constant 1 : i32
    %dma_start3A_20 = arith.constant 0 : i32
    %dma_start3A_21 = tpu.memref_slice %arg7[%dma_start3A_19, %dma_start3A_20] : memref<60x256xi32, #tpu.memory_space<vmem>> -> memref<1x256xi32, #tpu.memory_space<vmem>>
    %dma_start3A_22 = tpu.memref_squeeze %dma_start3A_21 : memref<1x256xi32, #tpu.memory_space<vmem>> -> memref<256xi32, #tpu.memory_space<vmem>>
    %dma_start3A_23 = arith.constant 0 : i32
    %dma_start3A_24 = arith.constant 0 : i32
    %dma_start3A_25 = tpu.memref_slice %arg2[%dma_start3A_23, %dma_start3A_24] : memref<20000x64xf32, #tpu.memory_space<hbm>> -> memref<20000x64xf32, #tpu.memory_space<hbm>>
    tpu.enqueue_indirect_dma source(%dma_start3A_25 : memref<20000x64xf32, #tpu.memory_space<hbm>>) target(%arg10 : memref<256x64xf32, #tpu.memory_space<vmem>>) offsets(%dma_start3A_22 : memref<256xi32, #tpu.memory_space<vmem>>) semaphore(%arg14 : memref<!tpu.dma_semaphore, #tpu.memory_space<semaphore_mem>>)
    %scan3A = arith.constant 0 : i32
    %scan3A_26 = arith.constant 0 : i32
    %scan3A_27 = arith.constant 20 : i32
    %scan3A_28 = arith.addi %scan3A_26, %scan3A_27 : i32
    %scan3A_29 = arith.constant 1 : i32
    scf.for %scan3A_54 = %scan3A_26 to %scan3A_28 step %scan3A_29  : i32 {
      %mul3A_55 = arith.constant 3 : i32
      %mul3A_56 = arith.muli %scan3A_54, %mul3A_55 : i32
      %add3A_57 = arith.constant 0 : i32
      %add3A_58 = arith.addi %mul3A_56, %add3A_57 : i32
      %dma_wait3A_59 = arith.constant 0 : i32
      %dma_wait3A_60 = arith.constant 0 : i32
      %dma_wait3A_61 = tpu.memref_slice %arg7[%dma_wait3A_59, %dma_wait3A_60] : memref<60x256xi32, #tpu.memory_space<vmem>> -> memref<1x256xi32, #tpu.memory_space<vmem>>
      %dma_wait3A_62 = tpu.memref_squeeze %dma_wait3A_61 : memref<1x256xi32, #tpu.memory_space<vmem>> -> memref<256xi32, #tpu.memory_space<vmem>>
      %dma_wait3A_63 = arith.constant 0 : i32
      %dma_wait3A_64 = arith.constant 0 : i32
      %dma_wait3A_65 = tpu.memref_slice %arg2[%dma_wait3A_63, %dma_wait3A_64] : memref<20000x64xf32, #tpu.memory_space<hbm>> -> memref<20000x64xf32, #tpu.memory_space<hbm>>
      tpu.wait_indirect_dma semaphore(%arg13 : memref<!tpu.dma_semaphore, #tpu.memory_space<semaphore_mem>>) src(%dma_wait3A_65 : memref<20000x64xf32, #tpu.memory_space<hbm>>) dst(%arg9 : memref<256x64xf32, #tpu.memory_space<vmem>>)
      %add3A_66 = arith.constant 2 : i32
      %add3A_67 = arith.addi %add3A_58, %add3A_66 : i32
      %lt3A = arith.constant 60 : i32
      %lt3A_68 = arith.cmpi slt, %add3A_67, %lt3A : i32
      %convert_element_type3A = arith.extui %lt3A_68 : i1 to i32
      %cond3A = arith.constant 0 : i32
      %cond3A_69 = arith.cmpi ne, %convert_element_type3A, %cond3A : i32
      scf.if %cond3A_69 {
        %ge3A = arith.constant 3 : i32
        %ge3A_124 = arith.cmpi sge, %add3A_67, %ge3A : i32
        %convert_element_type3A_125 = arith.extui %ge3A_124 : i1 to i32
        %cond3A_126 = arith.constant 0 : i32
        %cond3A_127 = arith.cmpi ne, %convert_element_type3A_125, %cond3A_126 : i32
        scf.if %cond3A_127 {
          %dma_wait3A_134 = arith.constant 0 : i32
          %dma_wait3A_135 = arith.constant 0 : i32
          %dma_wait3A_136 = tpu.memref_slice %arg8[%dma_wait3A_134, %dma_wait3A_135] : memref<60x256xi32, #tpu.memory_space<vmem>> -> memref<1x256xi32, #tpu.memory_space<vmem>>
          %dma_wait3A_137 = tpu.memref_squeeze %dma_wait3A_136 : memref<1x256xi32, #tpu.memory_space<vmem>> -> memref<256xi32, #tpu.memory_space<vmem>>
          %dma_wait3A_138 = arith.constant 0 : i32
          %dma_wait3A_139 = arith.constant 0 : i32
          %dma_wait3A_140 = tpu.memref_slice %arg12[%dma_wait3A_138, %dma_wait3A_139] : memref<10240x64xf32, #tpu.memory_space<vmem_shared>> -> memref<10240x64xf32, #tpu.memory_space<vmem_shared>>
          tpu.wait_indirect_dma semaphore(%arg18 : memref<!tpu.dma_semaphore, #tpu.memory_space<semaphore_mem>>) src(%arg11 : memref<256x64xf32, #tpu.memory_space<vmem>>) dst(%dma_wait3A_140 : memref<10240x64xf32, #tpu.memory_space<vmem_shared>>)
        } else {
        }
        %dma_start3A_128 = arith.constant 0 : i32
        %dma_start3A_129 = tpu.memref_slice %arg7[%add3A_67, %dma_start3A_128] : memref<60x256xi32, #tpu.memory_space<vmem>> -> memref<1x256xi32, #tpu.memory_space<vmem>>
        %dma_start3A_130 = tpu.memref_squeeze %dma_start3A_129 : memref<1x256xi32, #tpu.memory_space<vmem>> -> memref<256xi32, #tpu.memory_space<vmem>>
        %dma_start3A_131 = arith.constant 0 : i32
        %dma_start3A_132 = arith.constant 0 : i32
        %dma_start3A_133 = tpu.memref_slice %arg2[%dma_start3A_131, %dma_start3A_132] : memref<20000x64xf32, #tpu.memory_space<hbm>> -> memref<20000x64xf32, #tpu.memory_space<hbm>>
        tpu.enqueue_indirect_dma source(%dma_start3A_133 : memref<20000x64xf32, #tpu.memory_space<hbm>>) target(%arg11 : memref<256x64xf32, #tpu.memory_space<vmem>>) offsets(%dma_start3A_130 : memref<256xi32, #tpu.memory_space<vmem>>) semaphore(%arg15 : memref<!tpu.dma_semaphore, #tpu.memory_space<semaphore_mem>>)
      } else {
      }
      %dma_start3A_70 = arith.constant 0 : i32
      %dma_start3A_71 = tpu.memref_slice %arg8[%add3A_58, %dma_start3A_70] : memref<60x256xi32, #tpu.memory_space<vmem>> -> memref<1x256xi32, #tpu.memory_space<vmem>>
      %dma_start3A_72 = tpu.memref_squeeze %dma_start3A_71 : memref<1x256xi32, #tpu.memory_space<vmem>> -> memref<256xi32, #tpu.memory_space<vmem>>
      %dma_start3A_73 = arith.constant 0 : i32
      %dma_start3A_74 = arith.constant 0 : i32
      %dma_start3A_75 = tpu.memref_slice %arg12[%dma_start3A_73, %dma_start3A_74] : memref<10240x64xf32, #tpu.memory_space<vmem_shared>> -> memref<10240x64xf32, #tpu.memory_space<vmem_shared>>
      tpu.enqueue_indirect_dma source(%arg9 : memref<256x64xf32, #tpu.memory_space<vmem>>) target(%dma_start3A_75 : memref<10240x64xf32, #tpu.memory_space<vmem_shared>>) offsets(%dma_start3A_72 : memref<256xi32, #tpu.memory_space<vmem>>) semaphore(%arg16 : memref<!tpu.dma_semaphore, #tpu.memory_space<semaphore_mem>>) {add = true}
      %mul3A_76 = arith.constant 3 : i32
      %mul3A_77 = arith.muli %scan3A_54, %mul3A_76 : i32
      %add3A_78 = arith.constant 1 : i32
      %add3A_79 = arith.addi %mul3A_77, %add3A_78 : i32
      %dma_wait3A_80 = arith.constant 0 : i32
      %dma_wait3A_81 = arith.constant 0 : i32
      %dma_wait3A_82 = tpu.memref_slice %arg7[%dma_wait3A_80, %dma_wait3A_81] : memref<60x256xi32, #tpu.memory_space<vmem>> -> memref<1x256xi32, #tpu.memory_space<vmem>>
      %dma_wait3A_83 = tpu.memref_squeeze %dma_wait3A_82 : memref<1x256xi32, #tpu.memory_space<vmem>> -> memref<256xi32, #tpu.memory_space<vmem>>
      %dma_wait3A_84 = arith.constant 0 : i32
      %dma_wait3A_85 = arith.constant 0 : i32
      %dma_wait3A_86 = tpu.memref_slice %arg2[%dma_wait3A_84, %dma_wait3A_85] : memref<20000x64xf32, #tpu.memory_space<hbm>> -> memref<20000x64xf32, #tpu.memory_space<hbm>>
      tpu.wait_indirect_dma semaphore(%arg14 : memref<!tpu.dma_semaphore, #tpu.memory_space<semaphore_mem>>) src(%dma_wait3A_86 : memref<20000x64xf32, #tpu.memory_space<hbm>>) dst(%arg10 : memref<256x64xf32, #tpu.memory_space<vmem>>)
      %add3A_87 = arith.constant 2 : i32
      %add3A_88 = arith.addi %add3A_79, %add3A_87 : i32
      %lt3A_89 = arith.constant 60 : i32
      %lt3A_90 = arith.cmpi slt, %add3A_88, %lt3A_89 : i32
      %convert_element_type3A_91 = arith.extui %lt3A_90 : i1 to i32
      %cond3A_92 = arith.constant 0 : i32
      %cond3A_93 = arith.cmpi ne, %convert_element_type3A_91, %cond3A_92 : i32
      scf.if %cond3A_93 {
        %ge3A = arith.constant 3 : i32
        %ge3A_124 = arith.cmpi sge, %add3A_88, %ge3A : i32
        %convert_element_type3A_125 = arith.extui %ge3A_124 : i1 to i32
        %cond3A_126 = arith.constant 0 : i32
        %cond3A_127 = arith.cmpi ne, %convert_element_type3A_125, %cond3A_126 : i32
        scf.if %cond3A_127 {
          %dma_wait3A_134 = arith.constant 0 : i32
          %dma_wait3A_135 = arith.constant 0 : i32
          %dma_wait3A_136 = tpu.memref_slice %arg8[%dma_wait3A_134, %dma_wait3A_135] : memref<60x256xi32, #tpu.memory_space<vmem>> -> memref<1x256xi32, #tpu.memory_space<vmem>>
          %dma_wait3A_137 = tpu.memref_squeeze %dma_wait3A_136 : memref<1x256xi32, #tpu.memory_space<vmem>> -> memref<256xi32, #tpu.memory_space<vmem>>
          %dma_wait3A_138 = arith.constant 0 : i32
          %dma_wait3A_139 = arith.constant 0 : i32
          %dma_wait3A_140 = tpu.memref_slice %arg12[%dma_wait3A_138, %dma_wait3A_139] : memref<10240x64xf32, #tpu.memory_space<vmem_shared>> -> memref<10240x64xf32, #tpu.memory_space<vmem_shared>>
          tpu.wait_indirect_dma semaphore(%arg16 : memref<!tpu.dma_semaphore, #tpu.memory_space<semaphore_mem>>) src(%arg9 : memref<256x64xf32, #tpu.memory_space<vmem>>) dst(%dma_wait3A_140 : memref<10240x64xf32, #tpu.memory_space<vmem_shared>>)
        } else {
        }
        %dma_start3A_128 = arith.constant 0 : i32
        %dma_start3A_129 = tpu.memref_slice %arg7[%add3A_88, %dma_start3A_128] : memref<60x256xi32, #tpu.memory_space<vmem>> -> memref<1x256xi32, #tpu.memory_space<vmem>>
        %dma_start3A_130 = tpu.memref_squeeze %dma_start3A_129 : memref<1x256xi32, #tpu.memory_space<vmem>> -> memref<256xi32, #tpu.memory_space<vmem>>
        %dma_start3A_131 = arith.constant 0 : i32
        %dma_start3A_132 = arith.constant 0 : i32
        %dma_start3A_133 = tpu.memref_slice %arg2[%dma_start3A_131, %dma_start3A_132] : memref<20000x64xf32, #tpu.memory_space<hbm>> -> memref<20000x64xf32, #tpu.memory_space<hbm>>
        tpu.enqueue_indirect_dma source(%dma_start3A_133 : memref<20000x64xf32, #tpu.memory_space<hbm>>) target(%arg9 : memref<256x64xf32, #tpu.memory_space<vmem>>) offsets(%dma_start3A_130 : memref<256xi32, #tpu.memory_space<vmem>>) semaphore(%arg13 : memref<!tpu.dma_semaphore, #tpu.memory_space<semaphore_mem>>)
      } else {
      }
      %dma_start3A_94 = arith.constant 0 : i32
      %dma_start3A_95 = tpu.memref_slice %arg8[%add3A_79, %dma_start3A_94] : memref<60x256xi32, #tpu.memory_space<vmem>> -> memref<1x256xi32, #tpu.memory_space<vmem>>
      %dma_start3A_96 = tpu.memref_squeeze %dma_start3A_95 : memref<1x256xi32, #tpu.memory_space<vmem>> -> memref<256xi32, #tpu.memory_space<vmem>>
      %dma_start3A_97 = arith.constant 0 : i32
      %dma_start3A_98 = arith.constant 0 : i32
      %dma_start3A_99 = tpu.memref_slice %arg12[%dma_start3A_97, %dma_start3A_98] : memref<10240x64xf32, #tpu.memory_space<vmem_shared>> -> memref<10240x64xf32, #tpu.memory_space<vmem_shared>>
      tpu.enqueue_indirect_dma source(%arg10 : memref<256x64xf32, #tpu.memory_space<vmem>>) target(%dma_start3A_99 : memref<10240x64xf32, #tpu.memory_space<vmem_shared>>) offsets(%dma_start3A_96 : memref<256xi32, #tpu.memory_space<vmem>>) semaphore(%arg17 : memref<!tpu.dma_semaphore, #tpu.memory_space<semaphore_mem>>) {add = true}
      %mul3A_100 = arith.constant 3 : i32
      %mul3A_101 = arith.muli %scan3A_54, %mul3A_100 : i32
      %add3A_102 = arith.constant 2 : i32
      %add3A_103 = arith.addi %mul3A_101, %add3A_102 : i32
      %dma_wait3A_104 = arith.constant 0 : i32
      %dma_wait3A_105 = arith.constant 0 : i32
      %dma_wait3A_106 = tpu.memref_slice %arg7[%dma_wait3A_104, %dma_wait3A_105] : memref<60x256xi32, #tpu.memory_space<vmem>> -> memref<1x256xi32, #tpu.memory_space<vmem>>
      %dma_wait3A_107 = tpu.memref_squeeze %dma_wait3A_106 : memref<1x256xi32, #tpu.memory_space<vmem>> -> memref<256xi32, #tpu.memory_space<vmem>>
      %dma_wait3A_108 = arith.constant 0 : i32
      %dma_wait3A_109 = arith.constant 0 : i32
      %dma_wait3A_110 = tpu.memref_slice %arg2[%dma_wait3A_108, %dma_wait3A_109] : memref<20000x64xf32, #tpu.memory_space<hbm>> -> memref<20000x64xf32, #tpu.memory_space<hbm>>
      tpu.wait_indirect_dma semaphore(%arg15 : memref<!tpu.dma_semaphore, #tpu.memory_space<semaphore_mem>>) src(%dma_wait3A_110 : memref<20000x64xf32, #tpu.memory_space<hbm>>) dst(%arg11 : memref<256x64xf32, #tpu.memory_space<vmem>>)
      %add3A_111 = arith.constant 2 : i32
      %add3A_112 = arith.addi %add3A_103, %add3A_111 : i32
      %lt3A_113 = arith.constant 60 : i32
      %lt3A_114 = arith.cmpi slt, %add3A_112, %lt3A_113 : i32
      %convert_element_type3A_115 = arith.extui %lt3A_114 : i1 to i32
      %cond3A_116 = arith.constant 0 : i32
      %cond3A_117 = arith.cmpi ne, %convert_element_type3A_115, %cond3A_116 : i32
      scf.if %cond3A_117 {
        %ge3A = arith.constant 3 : i32
        %ge3A_124 = arith.cmpi sge, %add3A_112, %ge3A : i32
        %convert_element_type3A_125 = arith.extui %ge3A_124 : i1 to i32
        %cond3A_126 = arith.constant 0 : i32
        %cond3A_127 = arith.cmpi ne, %convert_element_type3A_125, %cond3A_126 : i32
        scf.if %cond3A_127 {
          %dma_wait3A_134 = arith.constant 0 : i32
          %dma_wait3A_135 = arith.constant 0 : i32
          %dma_wait3A_136 = tpu.memref_slice %arg8[%dma_wait3A_134, %dma_wait3A_135] : memref<60x256xi32, #tpu.memory_space<vmem>> -> memref<1x256xi32, #tpu.memory_space<vmem>>
          %dma_wait3A_137 = tpu.memref_squeeze %dma_wait3A_136 : memref<1x256xi32, #tpu.memory_space<vmem>> -> memref<256xi32, #tpu.memory_space<vmem>>
          %dma_wait3A_138 = arith.constant 0 : i32
          %dma_wait3A_139 = arith.constant 0 : i32
          %dma_wait3A_140 = tpu.memref_slice %arg12[%dma_wait3A_138, %dma_wait3A_139] : memref<10240x64xf32, #tpu.memory_space<vmem_shared>> -> memref<10240x64xf32, #tpu.memory_space<vmem_shared>>
          tpu.wait_indirect_dma semaphore(%arg17 : memref<!tpu.dma_semaphore, #tpu.memory_space<semaphore_mem>>) src(%arg10 : memref<256x64xf32, #tpu.memory_space<vmem>>) dst(%dma_wait3A_140 : memref<10240x64xf32, #tpu.memory_space<vmem_shared>>)
        } else {
        }
        %dma_start3A_128 = arith.constant 0 : i32
        %dma_start3A_129 = tpu.memref_slice %arg7[%add3A_112, %dma_start3A_128] : memref<60x256xi32, #tpu.memory_space<vmem>> -> memref<1x256xi32, #tpu.memory_space<vmem>>
        %dma_start3A_130 = tpu.memref_squeeze %dma_start3A_129 : memref<1x256xi32, #tpu.memory_space<vmem>> -> memref<256xi32, #tpu.memory_space<vmem>>
        %dma_start3A_131 = arith.constant 0 : i32
        %dma_start3A_132 = arith.constant 0 : i32
        %dma_start3A_133 = tpu.memref_slice %arg2[%dma_start3A_131, %dma_start3A_132] : memref<20000x64xf32, #tpu.memory_space<hbm>> -> memref<20000x64xf32, #tpu.memory_space<hbm>>
        tpu.enqueue_indirect_dma source(%dma_start3A_133 : memref<20000x64xf32, #tpu.memory_space<hbm>>) target(%arg10 : memref<256x64xf32, #tpu.memory_space<vmem>>) offsets(%dma_start3A_130 : memref<256xi32, #tpu.memory_space<vmem>>) semaphore(%arg14 : memref<!tpu.dma_semaphore, #tpu.memory_space<semaphore_mem>>)
      } else {
      }
      %dma_start3A_118 = arith.constant 0 : i32
      %dma_start3A_119 = tpu.memref_slice %arg8[%add3A_103, %dma_start3A_118] : memref<60x256xi32, #tpu.memory_space<vmem>> -> memref<1x256xi32, #tpu.memory_space<vmem>>
      %dma_start3A_120 = tpu.memref_squeeze %dma_start3A_119 : memref<1x256xi32, #tpu.memory_space<vmem>> -> memref<256xi32, #tpu.memory_space<vmem>>
      %dma_start3A_121 = arith.constant 0 : i32
      %dma_start3A_122 = arith.constant 0 : i32
      %dma_start3A_123 = tpu.memref_slice %arg12[%dma_start3A_121, %dma_start3A_122] : memref<10240x64xf32, #tpu.memory_space<vmem_shared>> -> memref<10240x64xf32, #tpu.memory_space<vmem_shared>>
      tpu.enqueue_indirect_dma source(%arg11 : memref<256x64xf32, #tpu.memory_space<vmem>>) target(%dma_start3A_123 : memref<10240x64xf32, #tpu.memory_space<vmem_shared>>) offsets(%dma_start3A_120 : memref<256xi32, #tpu.memory_space<vmem>>) semaphore(%arg18 : memref<!tpu.dma_semaphore, #tpu.memory_space<semaphore_mem>>) {add = true}
    }
    %scan3A_30 = arith.constant 20 : i32
    %dma_wait3A = arith.constant 0 : i32
    %dma_wait3A_31 = arith.constant 0 : i32
    %dma_wait3A_32 = tpu.memref_slice %arg8[%dma_wait3A, %dma_wait3A_31] : memref<60x256xi32, #tpu.memory_space<vmem>> -> memref<1x256xi32, #tpu.memory_space<vmem>>
    %dma_wait3A_33 = tpu.memref_squeeze %dma_wait3A_32 : memref<1x256xi32, #tpu.memory_space<vmem>> -> memref<256xi32, #tpu.memory_space<vmem>>
    %dma_wait3A_34 = arith.constant 0 : i32
    %dma_wait3A_35 = arith.constant 0 : i32
    %dma_wait3A_36 = tpu.memref_slice %arg12[%dma_wait3A_34, %dma_wait3A_35] : memref<10240x64xf32, #tpu.memory_space<vmem_shared>> -> memref<10240x64xf32, #tpu.memory_space<vmem_shared>>
    tpu.wait_indirect_dma semaphore(%arg16 : memref<!tpu.dma_semaphore, #tpu.memory_space<semaphore_mem>>) src(%arg9 : memref<256x64xf32, #tpu.memory_space<vmem>>) dst(%dma_wait3A_36 : memref<10240x64xf32, #tpu.memory_space<vmem_shared>>)
    %dma_wait3A_37 = arith.constant 0 : i32
    %dma_wait3A_38 = arith.constant 0 : i32
    %dma_wait3A_39 = tpu.memref_slice %arg8[%dma_wait3A_37, %dma_wait3A_38] : memref<60x256xi32, #tpu.memory_space<vmem>> -> memref<1x256xi32, #tpu.memory_space<vmem>>
    %dma_wait3A_40 = tpu.memref_squeeze %dma_wait3A_39 : memref<1x256xi32, #tpu.memory_space<vmem>> -> memref<256xi32, #tpu.memory_space<vmem>>
    %dma_wait3A_41 = arith.constant 0 : i32
    %dma_wait3A_42 = arith.constant 0 : i32
    %dma_wait3A_43 = tpu.memref_slice %arg12[%dma_wait3A_41, %dma_wait3A_42] : memref<10240x64xf32, #tpu.memory_space<vmem_shared>> -> memref<10240x64xf32, #tpu.memory_space<vmem_shared>>
    tpu.wait_indirect_dma semaphore(%arg17 : memref<!tpu.dma_semaphore, #tpu.memory_space<semaphore_mem>>) src(%arg10 : memref<256x64xf32, #tpu.memory_space<vmem>>) dst(%dma_wait3A_43 : memref<10240x64xf32, #tpu.memory_space<vmem_shared>>)
    %dma_wait3A_44 = arith.constant 0 : i32
    %dma_wait3A_45 = arith.constant 0 : i32
    %dma_wait3A_46 = tpu.memref_slice %arg8[%dma_wait3A_44, %dma_wait3A_45] : memref<60x256xi32, #tpu.memory_space<vmem>> -> memref<1x256xi32, #tpu.memory_space<vmem>>
    %dma_wait3A_47 = tpu.memref_squeeze %dma_wait3A_46 : memref<1x256xi32, #tpu.memory_space<vmem>> -> memref<256xi32, #tpu.memory_space<vmem>>
    %dma_wait3A_48 = arith.constant 0 : i32
    %dma_wait3A_49 = arith.constant 0 : i32
    %dma_wait3A_50 = tpu.memref_slice %arg12[%dma_wait3A_48, %dma_wait3A_49] : memref<10240x64xf32, #tpu.memory_space<vmem_shared>> -> memref<10240x64xf32, #tpu.memory_space<vmem_shared>>
    tpu.wait_indirect_dma semaphore(%arg18 : memref<!tpu.dma_semaphore, #tpu.memory_space<semaphore_mem>>) src(%arg11 : memref<256x64xf32, #tpu.memory_space<vmem>>) dst(%dma_wait3A_50 : memref<10240x64xf32, #tpu.memory_space<vmem_shared>>)
    %barrier3A_51 = arith.constant 0 : index
    tpu.barrier barrier_id(%barrier3A_51)
    %mul3A_52 = arith.constant 640 : i32
    %mul3A_53 = arith.muli %arg1, %mul3A_52 : i32
    "tpu.region"() ({
      %run_scoped3A = tpu.sem_alloc : memref<!tpu.dma_semaphore, #tpu.memory_space<semaphore_mem>>
      %dma_start3A_54 = arith.constant 0 : i32
      %dma_start3A_55 = arith.constant 0 : i32
      %dma_start3A_56 = tpu.memref_slice %arg6[%add3A, %dma_start3A_54, %dma_start3A_55] : memref<32x640x64xf32, #tpu.memory_space<hbm>> -> memref<1x640x64xf32, #tpu.memory_space<hbm>>
      %dma_start3A_57 = tpu.memref_squeeze %dma_start3A_56 : memref<1x640x64xf32, #tpu.memory_space<hbm>> -> memref<640x64xf32, #tpu.memory_space<hbm>>
      %dma_start3A_58 = arith.constant 0 : i32
      %dma_start3A_59 = tpu.memref_slice %arg12[%mul3A_53, %dma_start3A_58] : memref<10240x64xf32, #tpu.memory_space<vmem_shared>> -> memref<640x64xf32, #tpu.memory_space<vmem_shared>>
      tpu.enqueue_dma source(%dma_start3A_59 : memref<640x64xf32, #tpu.memory_space<vmem_shared>>) target(%dma_start3A_57 : memref<640x64xf32, #tpu.memory_space<hbm>>) target_semaphore(%run_scoped3A : memref<!tpu.dma_semaphore, #tpu.memory_space<semaphore_mem>>)
      %dma_wait3A_60 = arith.constant 0 : i32
      %dma_wait3A_61 = arith.constant 0 : i32
      %dma_wait3A_62 = tpu.memref_slice %arg6[%add3A, %dma_wait3A_60, %dma_wait3A_61] : memref<32x640x64xf32, #tpu.memory_space<hbm>> -> memref<1x640x64xf32, #tpu.memory_space<hbm>>
      %dma_wait3A_63 = tpu.memref_squeeze %dma_wait3A_62 : memref<1x640x64xf32, #tpu.memory_space<hbm>> -> memref<640x64xf32, #tpu.memory_space<hbm>>
      %dma_wait3A_64 = arith.constant 0 : i32
      %dma_wait3A_65 = tpu.memref_slice %arg12[%mul3A_53, %dma_wait3A_64] : memref<10240x64xf32, #tpu.memory_space<vmem_shared>> -> memref<640x64xf32, #tpu.memory_space<vmem_shared>>
      tpu.wait_dma2 semaphore(%run_scoped3A : memref<!tpu.dma_semaphore, #tpu.memory_space<semaphore_mem>>) src(%dma_wait3A_65 : memref<640x64xf32, #tpu.memory_space<vmem_shared>>) dst(%dma_wait3A_63 : memref<640x64xf32, #tpu.memory_space<hbm>>)
      tpu.yield
    }) : () -> ()
    return
  }
}

#map = affine_map<(d0, d1) -> (0, 0)>
#map1 = affine_map<(d0, d1) -> (0, 0, 0)>
module attributes {stable_mosaic.version = 14 : i64} {
  func.func @_scat_body_wrap(%arg0: i32, %arg1: i32, %arg2: memref<20000x64xf32, #tpu.memory_space<hbm>>, %arg3: memref<1920x256xi32, #tpu.memory_space<hbm>>, %arg4: memref<1920x256xi32, #tpu.memory_space<hbm>>, %arg5: memref<640x64xf32, #tpu.memory_space<hbm>>, %arg6: memref<32x640x64xf32, #tpu.memory_space<hbm>>, %arg7: memref<60x256xi32, #tpu.memory_space<vmem>>, %arg8: memref<60x256xi32, #tpu.memory_space<vmem>>, %arg9: memref<256x64xf32, #tpu.memory_space<vmem>>, %arg10: memref<256x64xf32, #tpu.memory_space<vmem>>, %arg11: memref<256x64xf32, #tpu.memory_space<vmem>>, %arg12: memref<10240x64xf32, #tpu.memory_space<vmem_shared>>, %arg13: memref<!tpu.dma_semaphore, #tpu.memory_space<semaphore_mem>>, %arg14: memref<!tpu.dma_semaphore, #tpu.memory_space<semaphore_mem>>, %arg15: memref<!tpu.dma_semaphore, #tpu.memory_space<semaphore_mem>>, %arg16: memref<!tpu.dma_semaphore, #tpu.memory_space<semaphore_mem>>, %arg17: memref<!tpu.dma_semaphore, #tpu.memory_space<semaphore_mem>>, %arg18: memref<!tpu.dma_semaphore, #tpu.memory_space<semaphore_mem>>) attributes {dimension_semantics = [#tpu.dimension_semantics<core_parallel>, #tpu.dimension_semantics<subcore_parallel>], iteration_bounds = array<i64: 2, 16>, scalar_prefetch = 0 : i64, scratch_operands = 12 : i64, tpu.core_type = #tpu.core_type<sc_vector_subcore>, window_params = [{transform_indices = #map}, {transform_indices = #map}, {transform_indices = #map}, {transform_indices = #map}, {transform_indices = #map1}]} {
    %mul3A = arith.constant 16 : i32
    %mul3A_0 = arith.muli %arg0, %mul3A : i32
    %add3A = arith.addi %mul3A_0, %arg1 : i32
    %mul3A_1 = arith.constant 16 : i32
    %mul3A_2 = arith.muli %arg0, %mul3A_1 : i32
    %add3A_3 = arith.addi %mul3A_2, %arg1 : i32
    %mul3A_4 = arith.constant 60 : i32
    %mul3A_5 = arith.muli %add3A_3, %mul3A_4 : i32
    "tpu.region"() ({
      %run_scoped3A = tpu.sem_alloc : memref<!tpu.dma_semaphore, #tpu.memory_space<semaphore_mem>>
      %dma_start3A_54 = arith.constant 0 : i32
      %dma_start3A_55 = tpu.memref_slice %arg3[%mul3A_5, %dma_start3A_54] : memref<1920x256xi32, #tpu.memory_space<hbm>> -> memref<60x256xi32, #tpu.memory_space<hbm>>
      %dma_start3A_56 = arith.constant 0 : i32
      %dma_start3A_57 = tpu.memref_slice %arg3[%mul3A_5, %dma_start3A_56] : memref<1920x256xi32, #tpu.memory_space<hbm>> -> memref<60x256xi32, #tpu.memory_space<hbm>>
      tpu.enqueue_dma source(%dma_start3A_57 : memref<60x256xi32, #tpu.memory_space<hbm>>) target(%arg7 : memref<60x256xi32, #tpu.memory_space<vmem>>) target_semaphore(%run_scoped3A : memref<!tpu.dma_semaphore, #tpu.memory_space<semaphore_mem>>)
      %dma_wait3A_58 = arith.constant 0 : i32
      %dma_wait3A_59 = tpu.memref_slice %arg3[%mul3A_5, %dma_wait3A_58] : memref<1920x256xi32, #tpu.memory_space<hbm>> -> memref<60x256xi32, #tpu.memory_space<hbm>>
      %dma_wait3A_60 = arith.constant 0 : i32
      %dma_wait3A_61 = tpu.memref_slice %arg3[%mul3A_5, %dma_wait3A_60] : memref<1920x256xi32, #tpu.memory_space<hbm>> -> memref<60x256xi32, #tpu.memory_space<hbm>>
      tpu.wait_dma2 semaphore(%run_scoped3A : memref<!tpu.dma_semaphore, #tpu.memory_space<semaphore_mem>>) src(%dma_wait3A_61 : memref<60x256xi32, #tpu.memory_space<hbm>>) dst(%arg7 : memref<60x256xi32, #tpu.memory_space<vmem>>)
      tpu.yield
    }) : () -> ()
    %mul3A_6 = arith.constant 16 : i32
    %mul3A_7 = arith.muli %arg0, %mul3A_6 : i32
    %add3A_8 = arith.addi %mul3A_7, %arg1 : i32
    %mul3A_9 = arith.constant 60 : i32
    %mul3A_10 = arith.muli %add3A_8, %mul3A_9 : i32
    "tpu.region"() ({
      %run_scoped3A = tpu.sem_alloc : memref<!tpu.dma_semaphore, #tpu.memory_space<semaphore_mem>>
      %dma_start3A_54 = arith.constant 0 : i32
      %dma_start3A_55 = tpu.memref_slice %arg4[%mul3A_10, %dma_start3A_54] : memref<1920x256xi32, #tpu.memory_space<hbm>> -> memref<60x256xi32, #tpu.memory_space<hbm>>
      %dma_start3A_56 = arith.constant 0 : i32
      %dma_start3A_57 = tpu.memref_slice %arg4[%mul3A_10, %dma_start3A_56] : memref<1920x256xi32, #tpu.memory_space<hbm>> -> memref<60x256xi32, #tpu.memory_space<hbm>>
      tpu.enqueue_dma source(%dma_start3A_57 : memref<60x256xi32, #tpu.memory_space<hbm>>) target(%arg8 : memref<60x256xi32, #tpu.memory_space<vmem>>) target_semaphore(%run_scoped3A : memref<!tpu.dma_semaphore, #tpu.memory_space<semaphore_mem>>)
      %dma_wait3A_58 = arith.constant 0 : i32
      %dma_wait3A_59 = tpu.memref_slice %arg4[%mul3A_10, %dma_wait3A_58] : memref<1920x256xi32, #tpu.memory_space<hbm>> -> memref<60x256xi32, #tpu.memory_space<hbm>>
      %dma_wait3A_60 = arith.constant 0 : i32
      %dma_wait3A_61 = tpu.memref_slice %arg4[%mul3A_10, %dma_wait3A_60] : memref<1920x256xi32, #tpu.memory_space<hbm>> -> memref<60x256xi32, #tpu.memory_space<hbm>>
      tpu.wait_dma2 semaphore(%run_scoped3A : memref<!tpu.dma_semaphore, #tpu.memory_space<semaphore_mem>>) src(%dma_wait3A_61 : memref<60x256xi32, #tpu.memory_space<hbm>>) dst(%arg8 : memref<60x256xi32, #tpu.memory_space<vmem>>)
      tpu.yield
    }) : () -> ()
    %mul3A_11 = arith.constant 640 : i32
    %mul3A_12 = arith.muli %arg1, %mul3A_11 : i32
    "tpu.region"() ({
      %run_scoped3A = tpu.sem_alloc : memref<!tpu.dma_semaphore, #tpu.memory_space<semaphore_mem>>
      %dma_start3A_54 = arith.constant 0 : i32
      %dma_start3A_55 = tpu.memref_slice %arg12[%mul3A_12, %dma_start3A_54] : memref<10240x64xf32, #tpu.memory_space<vmem_shared>> -> memref<640x64xf32, #tpu.memory_space<vmem_shared>>
      tpu.enqueue_dma source(%arg5 : memref<640x64xf32, #tpu.memory_space<hbm>>) target(%dma_start3A_55 : memref<640x64xf32, #tpu.memory_space<vmem_shared>>) target_semaphore(%run_scoped3A : memref<!tpu.dma_semaphore, #tpu.memory_space<semaphore_mem>>)
      %dma_wait3A_56 = arith.constant 0 : i32
      %dma_wait3A_57 = tpu.memref_slice %arg12[%mul3A_12, %dma_wait3A_56] : memref<10240x64xf32, #tpu.memory_space<vmem_shared>> -> memref<640x64xf32, #tpu.memory_space<vmem_shared>>
      tpu.wait_dma2 semaphore(%run_scoped3A : memref<!tpu.dma_semaphore, #tpu.memory_space<semaphore_mem>>) src(%arg5 : memref<640x64xf32, #tpu.memory_space<hbm>>) dst(%dma_wait3A_57 : memref<640x64xf32, #tpu.memory_space<vmem_shared>>)
      tpu.yield
    }) : () -> ()
    %barrier3A = arith.constant 0 : index
    tpu.barrier barrier_id(%barrier3A)
    %dma_start3A = arith.constant 0 : i32
    %dma_start3A_13 = arith.constant 0 : i32
    %dma_start3A_14 = tpu.memref_slice %arg7[%dma_start3A, %dma_start3A_13] : memref<60x256xi32, #tpu.memory_space<vmem>> -> memref<1x256xi32, #tpu.memory_space<vmem>>
    %dma_start3A_15 = tpu.memref_squeeze %dma_start3A_14 : memref<1x256xi32, #tpu.memory_space<vmem>> -> memref<256xi32, #tpu.memory_space<vmem>>
    %dma_start3A_16 = arith.constant 0 : i32
    %dma_start3A_17 = arith.constant 0 : i32
    %dma_start3A_18 = tpu.memref_slice %arg2[%dma_start3A_16, %dma_start3A_17] : memref<20000x64xf32, #tpu.memory_space<hbm>> -> memref<20000x64xf32, #tpu.memory_space<hbm>>
    tpu.enqueue_indirect_dma source(%dma_start3A_18 : memref<20000x64xf32, #tpu.memory_space<hbm>>) target(%arg9 : memref<256x64xf32, #tpu.memory_space<vmem>>) offsets(%dma_start3A_15 : memref<256xi32, #tpu.memory_space<vmem>>) semaphore(%arg13 : memref<!tpu.dma_semaphore, #tpu.memory_space<semaphore_mem>>)
    %dma_start3A_19 = arith.constant 1 : i32
    %dma_start3A_20 = arith.constant 0 : i32
    %dma_start3A_21 = tpu.memref_slice %arg7[%dma_start3A_19, %dma_start3A_20] : memref<60x256xi32, #tpu.memory_space<vmem>> -> memref<1x256xi32, #tpu.memory_space<vmem>>
    %dma_start3A_22 = tpu.memref_squeeze %dma_start3A_21 : memref<1x256xi32, #tpu.memory_space<vmem>> -> memref<256xi32, #tpu.memory_space<vmem>>
    %dma_start3A_23 = arith.constant 0 : i32
    %dma_start3A_24 = arith.constant 0 : i32
    %dma_start3A_25 = tpu.memref_slice %arg2[%dma_start3A_23, %dma_start3A_24] : memref<20000x64xf32, #tpu.memory_space<hbm>> -> memref<20000x64xf32, #tpu.memory_space<hbm>>
    tpu.enqueue_indirect_dma source(%dma_start3A_25 : memref<20000x64xf32, #tpu.memory_space<hbm>>) target(%arg10 : memref<256x64xf32, #tpu.memory_space<vmem>>) offsets(%dma_start3A_22 : memref<256xi32, #tpu.memory_space<vmem>>) semaphore(%arg14 : memref<!tpu.dma_semaphore, #tpu.memory_space<semaphore_mem>>)
    %scan3A = arith.constant 0 : i32
    %scan3A_26 = arith.constant 0 : i32
    %scan3A_27 = arith.constant 20 : i32
    %scan3A_28 = arith.addi %scan3A_26, %scan3A_27 : i32
    %scan3A_29 = arith.constant 1 : i32
    scf.for %scan3A_54 = %scan3A_26 to %scan3A_28 step %scan3A_29  : i32 {
      %mul3A_55 = arith.constant 3 : i32
      %mul3A_56 = arith.muli %scan3A_54, %mul3A_55 : i32
      %add3A_57 = arith.constant 0 : i32
      %add3A_58 = arith.addi %mul3A_56, %add3A_57 : i32
      %dma_wait3A_59 = arith.constant 0 : i32
      %dma_wait3A_60 = arith.constant 0 : i32
      %dma_wait3A_61 = tpu.memref_slice %arg7[%dma_wait3A_59, %dma_wait3A_60] : memref<60x256xi32, #tpu.memory_space<vmem>> -> memref<1x256xi32, #tpu.memory_space<vmem>>
      %dma_wait3A_62 = tpu.memref_squeeze %dma_wait3A_61 : memref<1x256xi32, #tpu.memory_space<vmem>> -> memref<256xi32, #tpu.memory_space<vmem>>
      %dma_wait3A_63 = arith.constant 0 : i32
      %dma_wait3A_64 = arith.constant 0 : i32
      %dma_wait3A_65 = tpu.memref_slice %arg2[%dma_wait3A_63, %dma_wait3A_64] : memref<20000x64xf32, #tpu.memory_space<hbm>> -> memref<20000x64xf32, #tpu.memory_space<hbm>>
      tpu.wait_indirect_dma semaphore(%arg13 : memref<!tpu.dma_semaphore, #tpu.memory_space<semaphore_mem>>) src(%dma_wait3A_65 : memref<20000x64xf32, #tpu.memory_space<hbm>>) dst(%arg9 : memref<256x64xf32, #tpu.memory_space<vmem>>)
      %add3A_66 = arith.constant 2 : i32
      %add3A_67 = arith.addi %add3A_58, %add3A_66 : i32
      %lt3A = arith.constant 60 : i32
      %lt3A_68 = arith.cmpi slt, %add3A_67, %lt3A : i32
      %convert_element_type3A = arith.extui %lt3A_68 : i1 to i32
      %cond3A = arith.constant 0 : i32
      %cond3A_69 = arith.cmpi ne, %convert_element_type3A, %cond3A : i32
      scf.if %cond3A_69 {
        %ge3A = arith.constant 3 : i32
        %ge3A_124 = arith.cmpi sge, %add3A_67, %ge3A : i32
        %convert_element_type3A_125 = arith.extui %ge3A_124 : i1 to i32
        %cond3A_126 = arith.constant 0 : i32
        %cond3A_127 = arith.cmpi ne, %convert_element_type3A_125, %cond3A_126 : i32
        scf.if %cond3A_127 {
          %dma_wait3A_134 = arith.constant 0 : i32
          %dma_wait3A_135 = arith.constant 0 : i32
          %dma_wait3A_136 = tpu.memref_slice %arg8[%dma_wait3A_134, %dma_wait3A_135] : memref<60x256xi32, #tpu.memory_space<vmem>> -> memref<1x256xi32, #tpu.memory_space<vmem>>
          %dma_wait3A_137 = tpu.memref_squeeze %dma_wait3A_136 : memref<1x256xi32, #tpu.memory_space<vmem>> -> memref<256xi32, #tpu.memory_space<vmem>>
          %dma_wait3A_138 = arith.constant 0 : i32
          %dma_wait3A_139 = arith.constant 0 : i32
          %dma_wait3A_140 = tpu.memref_slice %arg12[%dma_wait3A_138, %dma_wait3A_139] : memref<10240x64xf32, #tpu.memory_space<vmem_shared>> -> memref<10240x64xf32, #tpu.memory_space<vmem_shared>>
          tpu.wait_indirect_dma semaphore(%arg18 : memref<!tpu.dma_semaphore, #tpu.memory_space<semaphore_mem>>) src(%arg11 : memref<256x64xf32, #tpu.memory_space<vmem>>) dst(%dma_wait3A_140 : memref<10240x64xf32, #tpu.memory_space<vmem_shared>>)
        } else {
        }
        %dma_start3A_128 = arith.constant 0 : i32
        %dma_start3A_129 = tpu.memref_slice %arg7[%add3A_67, %dma_start3A_128] : memref<60x256xi32, #tpu.memory_space<vmem>> -> memref<1x256xi32, #tpu.memory_space<vmem>>
        %dma_start3A_130 = tpu.memref_squeeze %dma_start3A_129 : memref<1x256xi32, #tpu.memory_space<vmem>> -> memref<256xi32, #tpu.memory_space<vmem>>
        %dma_start3A_131 = arith.constant 0 : i32
        %dma_start3A_132 = arith.constant 0 : i32
        %dma_start3A_133 = tpu.memref_slice %arg2[%dma_start3A_131, %dma_start3A_132] : memref<20000x64xf32, #tpu.memory_space<hbm>> -> memref<20000x64xf32, #tpu.memory_space<hbm>>
        tpu.enqueue_indirect_dma source(%dma_start3A_133 : memref<20000x64xf32, #tpu.memory_space<hbm>>) target(%arg11 : memref<256x64xf32, #tpu.memory_space<vmem>>) offsets(%dma_start3A_130 : memref<256xi32, #tpu.memory_space<vmem>>) semaphore(%arg15 : memref<!tpu.dma_semaphore, #tpu.memory_space<semaphore_mem>>)
      } else {
      }
      %dma_start3A_70 = arith.constant 0 : i32
      %dma_start3A_71 = tpu.memref_slice %arg8[%add3A_58, %dma_start3A_70] : memref<60x256xi32, #tpu.memory_space<vmem>> -> memref<1x256xi32, #tpu.memory_space<vmem>>
      %dma_start3A_72 = tpu.memref_squeeze %dma_start3A_71 : memref<1x256xi32, #tpu.memory_space<vmem>> -> memref<256xi32, #tpu.memory_space<vmem>>
      %dma_start3A_73 = arith.constant 0 : i32
      %dma_start3A_74 = arith.constant 0 : i32
      %dma_start3A_75 = tpu.memref_slice %arg12[%dma_start3A_73, %dma_start3A_74] : memref<10240x64xf32, #tpu.memory_space<vmem_shared>> -> memref<10240x64xf32, #tpu.memory_space<vmem_shared>>
      tpu.enqueue_indirect_dma source(%arg9 : memref<256x64xf32, #tpu.memory_space<vmem>>) target(%dma_start3A_75 : memref<10240x64xf32, #tpu.memory_space<vmem_shared>>) offsets(%dma_start3A_72 : memref<256xi32, #tpu.memory_space<vmem>>) semaphore(%arg16 : memref<!tpu.dma_semaphore, #tpu.memory_space<semaphore_mem>>) {add = true}
      %mul3A_76 = arith.constant 3 : i32
      %mul3A_77 = arith.muli %scan3A_54, %mul3A_76 : i32
      %add3A_78 = arith.constant 1 : i32
      %add3A_79 = arith.addi %mul3A_77, %add3A_78 : i32
      %dma_wait3A_80 = arith.constant 0 : i32
      %dma_wait3A_81 = arith.constant 0 : i32
      %dma_wait3A_82 = tpu.memref_slice %arg7[%dma_wait3A_80, %dma_wait3A_81] : memref<60x256xi32, #tpu.memory_space<vmem>> -> memref<1x256xi32, #tpu.memory_space<vmem>>
      %dma_wait3A_83 = tpu.memref_squeeze %dma_wait3A_82 : memref<1x256xi32, #tpu.memory_space<vmem>> -> memref<256xi32, #tpu.memory_space<vmem>>
      %dma_wait3A_84 = arith.constant 0 : i32
      %dma_wait3A_85 = arith.constant 0 : i32
      %dma_wait3A_86 = tpu.memref_slice %arg2[%dma_wait3A_84, %dma_wait3A_85] : memref<20000x64xf32, #tpu.memory_space<hbm>> -> memref<20000x64xf32, #tpu.memory_space<hbm>>
      tpu.wait_indirect_dma semaphore(%arg14 : memref<!tpu.dma_semaphore, #tpu.memory_space<semaphore_mem>>) src(%dma_wait3A_86 : memref<20000x64xf32, #tpu.memory_space<hbm>>) dst(%arg10 : memref<256x64xf32, #tpu.memory_space<vmem>>)
      %add3A_87 = arith.constant 2 : i32
      %add3A_88 = arith.addi %add3A_79, %add3A_87 : i32
      %lt3A_89 = arith.constant 60 : i32
      %lt3A_90 = arith.cmpi slt, %add3A_88, %lt3A_89 : i32
      %convert_element_type3A_91 = arith.extui %lt3A_90 : i1 to i32
      %cond3A_92 = arith.constant 0 : i32
      %cond3A_93 = arith.cmpi ne, %convert_element_type3A_91, %cond3A_92 : i32
      scf.if %cond3A_93 {
        %ge3A = arith.constant 3 : i32
        %ge3A_124 = arith.cmpi sge, %add3A_88, %ge3A : i32
        %convert_element_type3A_125 = arith.extui %ge3A_124 : i1 to i32
        %cond3A_126 = arith.constant 0 : i32
        %cond3A_127 = arith.cmpi ne, %convert_element_type3A_125, %cond3A_126 : i32
        scf.if %cond3A_127 {
          %dma_wait3A_134 = arith.constant 0 : i32
          %dma_wait3A_135 = arith.constant 0 : i32
          %dma_wait3A_136 = tpu.memref_slice %arg8[%dma_wait3A_134, %dma_wait3A_135] : memref<60x256xi32, #tpu.memory_space<vmem>> -> memref<1x256xi32, #tpu.memory_space<vmem>>
          %dma_wait3A_137 = tpu.memref_squeeze %dma_wait3A_136 : memref<1x256xi32, #tpu.memory_space<vmem>> -> memref<256xi32, #tpu.memory_space<vmem>>
          %dma_wait3A_138 = arith.constant 0 : i32
          %dma_wait3A_139 = arith.constant 0 : i32
          %dma_wait3A_140 = tpu.memref_slice %arg12[%dma_wait3A_138, %dma_wait3A_139] : memref<10240x64xf32, #tpu.memory_space<vmem_shared>> -> memref<10240x64xf32, #tpu.memory_space<vmem_shared>>
          tpu.wait_indirect_dma semaphore(%arg16 : memref<!tpu.dma_semaphore, #tpu.memory_space<semaphore_mem>>) src(%arg9 : memref<256x64xf32, #tpu.memory_space<vmem>>) dst(%dma_wait3A_140 : memref<10240x64xf32, #tpu.memory_space<vmem_shared>>)
        } else {
        }
        %dma_start3A_128 = arith.constant 0 : i32
        %dma_start3A_129 = tpu.memref_slice %arg7[%add3A_88, %dma_start3A_128] : memref<60x256xi32, #tpu.memory_space<vmem>> -> memref<1x256xi32, #tpu.memory_space<vmem>>
        %dma_start3A_130 = tpu.memref_squeeze %dma_start3A_129 : memref<1x256xi32, #tpu.memory_space<vmem>> -> memref<256xi32, #tpu.memory_space<vmem>>
        %dma_start3A_131 = arith.constant 0 : i32
        %dma_start3A_132 = arith.constant 0 : i32
        %dma_start3A_133 = tpu.memref_slice %arg2[%dma_start3A_131, %dma_start3A_132] : memref<20000x64xf32, #tpu.memory_space<hbm>> -> memref<20000x64xf32, #tpu.memory_space<hbm>>
        tpu.enqueue_indirect_dma source(%dma_start3A_133 : memref<20000x64xf32, #tpu.memory_space<hbm>>) target(%arg9 : memref<256x64xf32, #tpu.memory_space<vmem>>) offsets(%dma_start3A_130 : memref<256xi32, #tpu.memory_space<vmem>>) semaphore(%arg13 : memref<!tpu.dma_semaphore, #tpu.memory_space<semaphore_mem>>)
      } else {
      }
      %dma_start3A_94 = arith.constant 0 : i32
      %dma_start3A_95 = tpu.memref_slice %arg8[%add3A_79, %dma_start3A_94] : memref<60x256xi32, #tpu.memory_space<vmem>> -> memref<1x256xi32, #tpu.memory_space<vmem>>
      %dma_start3A_96 = tpu.memref_squeeze %dma_start3A_95 : memref<1x256xi32, #tpu.memory_space<vmem>> -> memref<256xi32, #tpu.memory_space<vmem>>
      %dma_start3A_97 = arith.constant 0 : i32
      %dma_start3A_98 = arith.constant 0 : i32
      %dma_start3A_99 = tpu.memref_slice %arg12[%dma_start3A_97, %dma_start3A_98] : memref<10240x64xf32, #tpu.memory_space<vmem_shared>> -> memref<10240x64xf32, #tpu.memory_space<vmem_shared>>
      tpu.enqueue_indirect_dma source(%arg10 : memref<256x64xf32, #tpu.memory_space<vmem>>) target(%dma_start3A_99 : memref<10240x64xf32, #tpu.memory_space<vmem_shared>>) offsets(%dma_start3A_96 : memref<256xi32, #tpu.memory_space<vmem>>) semaphore(%arg17 : memref<!tpu.dma_semaphore, #tpu.memory_space<semaphore_mem>>) {add = true}
      %mul3A_100 = arith.constant 3 : i32
      %mul3A_101 = arith.muli %scan3A_54, %mul3A_100 : i32
      %add3A_102 = arith.constant 2 : i32
      %add3A_103 = arith.addi %mul3A_101, %add3A_102 : i32
      %dma_wait3A_104 = arith.constant 0 : i32
      %dma_wait3A_105 = arith.constant 0 : i32
      %dma_wait3A_106 = tpu.memref_slice %arg7[%dma_wait3A_104, %dma_wait3A_105] : memref<60x256xi32, #tpu.memory_space<vmem>> -> memref<1x256xi32, #tpu.memory_space<vmem>>
      %dma_wait3A_107 = tpu.memref_squeeze %dma_wait3A_106 : memref<1x256xi32, #tpu.memory_space<vmem>> -> memref<256xi32, #tpu.memory_space<vmem>>
      %dma_wait3A_108 = arith.constant 0 : i32
      %dma_wait3A_109 = arith.constant 0 : i32
      %dma_wait3A_110 = tpu.memref_slice %arg2[%dma_wait3A_108, %dma_wait3A_109] : memref<20000x64xf32, #tpu.memory_space<hbm>> -> memref<20000x64xf32, #tpu.memory_space<hbm>>
      tpu.wait_indirect_dma semaphore(%arg15 : memref<!tpu.dma_semaphore, #tpu.memory_space<semaphore_mem>>) src(%dma_wait3A_110 : memref<20000x64xf32, #tpu.memory_space<hbm>>) dst(%arg11 : memref<256x64xf32, #tpu.memory_space<vmem>>)
      %add3A_111 = arith.constant 2 : i32
      %add3A_112 = arith.addi %add3A_103, %add3A_111 : i32
      %lt3A_113 = arith.constant 60 : i32
      %lt3A_114 = arith.cmpi slt, %add3A_112, %lt3A_113 : i32
      %convert_element_type3A_115 = arith.extui %lt3A_114 : i1 to i32
      %cond3A_116 = arith.constant 0 : i32
      %cond3A_117 = arith.cmpi ne, %convert_element_type3A_115, %cond3A_116 : i32
      scf.if %cond3A_117 {
        %ge3A = arith.constant 3 : i32
        %ge3A_124 = arith.cmpi sge, %add3A_112, %ge3A : i32
        %convert_element_type3A_125 = arith.extui %ge3A_124 : i1 to i32
        %cond3A_126 = arith.constant 0 : i32
        %cond3A_127 = arith.cmpi ne, %convert_element_type3A_125, %cond3A_126 : i32
        scf.if %cond3A_127 {
          %dma_wait3A_134 = arith.constant 0 : i32
          %dma_wait3A_135 = arith.constant 0 : i32
          %dma_wait3A_136 = tpu.memref_slice %arg8[%dma_wait3A_134, %dma_wait3A_135] : memref<60x256xi32, #tpu.memory_space<vmem>> -> memref<1x256xi32, #tpu.memory_space<vmem>>
          %dma_wait3A_137 = tpu.memref_squeeze %dma_wait3A_136 : memref<1x256xi32, #tpu.memory_space<vmem>> -> memref<256xi32, #tpu.memory_space<vmem>>
          %dma_wait3A_138 = arith.constant 0 : i32
          %dma_wait3A_139 = arith.constant 0 : i32
          %dma_wait3A_140 = tpu.memref_slice %arg12[%dma_wait3A_138, %dma_wait3A_139] : memref<10240x64xf32, #tpu.memory_space<vmem_shared>> -> memref<10240x64xf32, #tpu.memory_space<vmem_shared>>
          tpu.wait_indirect_dma semaphore(%arg17 : memref<!tpu.dma_semaphore, #tpu.memory_space<semaphore_mem>>) src(%arg10 : memref<256x64xf32, #tpu.memory_space<vmem>>) dst(%dma_wait3A_140 : memref<10240x64xf32, #tpu.memory_space<vmem_shared>>)
        } else {
        }
        %dma_start3A_128 = arith.constant 0 : i32
        %dma_start3A_129 = tpu.memref_slice %arg7[%add3A_112, %dma_start3A_128] : memref<60x256xi32, #tpu.memory_space<vmem>> -> memref<1x256xi32, #tpu.memory_space<vmem>>
        %dma_start3A_130 = tpu.memref_squeeze %dma_start3A_129 : memref<1x256xi32, #tpu.memory_space<vmem>> -> memref<256xi32, #tpu.memory_space<vmem>>
        %dma_start3A_131 = arith.constant 0 : i32
        %dma_start3A_132 = arith.constant 0 : i32
        %dma_start3A_133 = tpu.memref_slice %arg2[%dma_start3A_131, %dma_start3A_132] : memref<20000x64xf32, #tpu.memory_space<hbm>> -> memref<20000x64xf32, #tpu.memory_space<hbm>>
        tpu.enqueue_indirect_dma source(%dma_start3A_133 : memref<20000x64xf32, #tpu.memory_space<hbm>>) target(%arg10 : memref<256x64xf32, #tpu.memory_space<vmem>>) offsets(%dma_start3A_130 : memref<256xi32, #tpu.memory_space<vmem>>) semaphore(%arg14 : memref<!tpu.dma_semaphore, #tpu.memory_space<semaphore_mem>>)
      } else {
      }
      %dma_start3A_118 = arith.constant 0 : i32
      %dma_start3A_119 = tpu.memref_slice %arg8[%add3A_103, %dma_start3A_118] : memref<60x256xi32, #tpu.memory_space<vmem>> -> memref<1x256xi32, #tpu.memory_space<vmem>>
      %dma_start3A_120 = tpu.memref_squeeze %dma_start3A_119 : memref<1x256xi32, #tpu.memory_space<vmem>> -> memref<256xi32, #tpu.memory_space<vmem>>
      %dma_start3A_121 = arith.constant 0 : i32
      %dma_start3A_122 = arith.constant 0 : i32
      %dma_start3A_123 = tpu.memref_slice %arg12[%dma_start3A_121, %dma_start3A_122] : memref<10240x64xf32, #tpu.memory_space<vmem_shared>> -> memref<10240x64xf32, #tpu.memory_space<vmem_shared>>
      tpu.enqueue_indirect_dma source(%arg11 : memref<256x64xf32, #tpu.memory_space<vmem>>) target(%dma_start3A_123 : memref<10240x64xf32, #tpu.memory_space<vmem_shared>>) offsets(%dma_start3A_120 : memref<256xi32, #tpu.memory_space<vmem>>) semaphore(%arg18 : memref<!tpu.dma_semaphore, #tpu.memory_space<semaphore_mem>>) {add = true}
    }
    %scan3A_30 = arith.constant 20 : i32
    %dma_wait3A = arith.constant 0 : i32
    %dma_wait3A_31 = arith.constant 0 : i32
    %dma_wait3A_32 = tpu.memref_slice %arg8[%dma_wait3A, %dma_wait3A_31] : memref<60x256xi32, #tpu.memory_space<vmem>> -> memref<1x256xi32, #tpu.memory_space<vmem>>
    %dma_wait3A_33 = tpu.memref_squeeze %dma_wait3A_32 : memref<1x256xi32, #tpu.memory_space<vmem>> -> memref<256xi32, #tpu.memory_space<vmem>>
    %dma_wait3A_34 = arith.constant 0 : i32
    %dma_wait3A_35 = arith.constant 0 : i32
    %dma_wait3A_36 = tpu.memref_slice %arg12[%dma_wait3A_34, %dma_wait3A_35] : memref<10240x64xf32, #tpu.memory_space<vmem_shared>> -> memref<10240x64xf32, #tpu.memory_space<vmem_shared>>
    tpu.wait_indirect_dma semaphore(%arg16 : memref<!tpu.dma_semaphore, #tpu.memory_space<semaphore_mem>>) src(%arg9 : memref<256x64xf32, #tpu.memory_space<vmem>>) dst(%dma_wait3A_36 : memref<10240x64xf32, #tpu.memory_space<vmem_shared>>)
    %dma_wait3A_37 = arith.constant 0 : i32
    %dma_wait3A_38 = arith.constant 0 : i32
    %dma_wait3A_39 = tpu.memref_slice %arg8[%dma_wait3A_37, %dma_wait3A_38] : memref<60x256xi32, #tpu.memory_space<vmem>> -> memref<1x256xi32, #tpu.memory_space<vmem>>
    %dma_wait3A_40 = tpu.memref_squeeze %dma_wait3A_39 : memref<1x256xi32, #tpu.memory_space<vmem>> -> memref<256xi32, #tpu.memory_space<vmem>>
    %dma_wait3A_41 = arith.constant 0 : i32
    %dma_wait3A_42 = arith.constant 0 : i32
    %dma_wait3A_43 = tpu.memref_slice %arg12[%dma_wait3A_41, %dma_wait3A_42] : memref<10240x64xf32, #tpu.memory_space<vmem_shared>> -> memref<10240x64xf32, #tpu.memory_space<vmem_shared>>
    tpu.wait_indirect_dma semaphore(%arg17 : memref<!tpu.dma_semaphore, #tpu.memory_space<semaphore_mem>>) src(%arg10 : memref<256x64xf32, #tpu.memory_space<vmem>>) dst(%dma_wait3A_43 : memref<10240x64xf32, #tpu.memory_space<vmem_shared>>)
    %dma_wait3A_44 = arith.constant 0 : i32
    %dma_wait3A_45 = arith.constant 0 : i32
    %dma_wait3A_46 = tpu.memref_slice %arg8[%dma_wait3A_44, %dma_wait3A_45] : memref<60x256xi32, #tpu.memory_space<vmem>> -> memref<1x256xi32, #tpu.memory_space<vmem>>
    %dma_wait3A_47 = tpu.memref_squeeze %dma_wait3A_46 : memref<1x256xi32, #tpu.memory_space<vmem>> -> memref<256xi32, #tpu.memory_space<vmem>>
    %dma_wait3A_48 = arith.constant 0 : i32
    %dma_wait3A_49 = arith.constant 0 : i32
    %dma_wait3A_50 = tpu.memref_slice %arg12[%dma_wait3A_48, %dma_wait3A_49] : memref<10240x64xf32, #tpu.memory_space<vmem_shared>> -> memref<10240x64xf32, #tpu.memory_space<vmem_shared>>
    tpu.wait_indirect_dma semaphore(%arg18 : memref<!tpu.dma_semaphore, #tpu.memory_space<semaphore_mem>>) src(%arg11 : memref<256x64xf32, #tpu.memory_space<vmem>>) dst(%dma_wait3A_50 : memref<10240x64xf32, #tpu.memory_space<vmem_shared>>)
    %barrier3A_51 = arith.constant 0 : index
    tpu.barrier barrier_id(%barrier3A_51)
    %mul3A_52 = arith.constant 640 : i32
    %mul3A_53 = arith.muli %arg1, %mul3A_52 : i32
    "tpu.region"() ({
      %run_scoped3A = tpu.sem_alloc : memref<!tpu.dma_semaphore, #tpu.memory_space<semaphore_mem>>
      %dma_start3A_54 = arith.constant 0 : i32
      %dma_start3A_55 = arith.constant 0 : i32
      %dma_start3A_56 = tpu.memref_slice %arg6[%add3A, %dma_start3A_54, %dma_start3A_55] : memref<32x640x64xf32, #tpu.memory_space<hbm>> -> memref<1x640x64xf32, #tpu.memory_space<hbm>>
      %dma_start3A_57 = tpu.memref_squeeze %dma_start3A_56 : memref<1x640x64xf32, #tpu.memory_space<hbm>> -> memref<640x64xf32, #tpu.memory_space<hbm>>
      %dma_start3A_58 = arith.constant 0 : i32
      %dma_start3A_59 = tpu.memref_slice %arg12[%mul3A_53, %dma_start3A_58] : memref<10240x64xf32, #tpu.memory_space<vmem_shared>> -> memref<640x64xf32, #tpu.memory_space<vmem_shared>>
      tpu.enqueue_dma source(%dma_start3A_59 : memref<640x64xf32, #tpu.memory_space<vmem_shared>>) target(%dma_start3A_57 : memref<640x64xf32, #tpu.memory_space<hbm>>) target_semaphore(%run_scoped3A : memref<!tpu.dma_semaphore, #tpu.memory_space<semaphore_mem>>)
      %dma_wait3A_60 = arith.constant 0 : i32
      %dma_wait3A_61 = arith.constant 0 : i32
      %dma_wait3A_62 = tpu.memref_slice %arg6[%add3A, %dma_wait3A_60, %dma_wait3A_61] : memref<32x640x64xf32, #tpu.memory_space<hbm>> -> memref<1x640x64xf32, #tpu.memory_space<hbm>>
      %dma_wait3A_63 = tpu.memref_squeeze %dma_wait3A_62 : memref<1x640x64xf32, #tpu.memory_space<hbm>> -> memref<640x64xf32, #tpu.memory_space<hbm>>
      %dma_wait3A_64 = arith.constant 0 : i32
      %dma_wait3A_65 = tpu.memref_slice %arg12[%mul3A_53, %dma_wait3A_64] : memref<10240x64xf32, #tpu.memory_space<vmem_shared>> -> memref<640x64xf32, #tpu.memory_space<vmem_shared>>
      tpu.wait_dma2 semaphore(%run_scoped3A : memref<!tpu.dma_semaphore, #tpu.memory_space<semaphore_mem>>) src(%dma_wait3A_65 : memref<640x64xf32, #tpu.memory_space<vmem_shared>>) dst(%dma_wait3A_63 : memref<640x64xf32, #tpu.memory_space<hbm>>)
      tpu.yield
    }) : () -> ()
    return
  }
}

module attributes {stable_mosaic.version = 14 : i64} {
  func.func @_l1_body(%arg0: memref<10000x128xf32, #tpu.memory_space<vmem>>, %arg1: memref<128x64xf32, #tpu.memory_space<vmem>>, %arg2: memref<2x10240x4xf32, #tpu.memory_space<vmem>>, %arg3: memref<20000x64xf32, #tpu.memory_space<vmem>>, %arg4: memref<10000x1xf32, #tpu.memory_space<vmem>>) attributes {dimension_semantics = [], scalar_prefetch = 0 : i64, scratch_operands = 0 : i64, tpu.core_type = #tpu.core_type<tc>} {
    %get3A = arith.constant 0 : index
    %get3A_0 = arith.constant 0 : index
    %get3A_1 = arith.constant 0 : index
    %get3A_2 = vector.load %arg2[%get3A, %get3A_0, %get3A_1] : memref<2x10240x4xf32, #tpu.memory_space<vmem>>, vector<1x10000x1xf32>
    %get3A_3 = vector.shape_cast %get3A_2 : vector<1x10000x1xf32> to vector<10000x1xf32>
    %get3A_4 = arith.constant 1 : index
    %get3A_5 = arith.constant 0 : index
    %get3A_6 = arith.constant 0 : index
    %get3A_7 = vector.load %arg2[%get3A_4, %get3A_5, %get3A_6] : memref<2x10240x4xf32, #tpu.memory_space<vmem>>, vector<1x10000x1xf32>
    %get3A_8 = vector.shape_cast %get3A_7 : vector<1x10000x1xf32> to vector<10000x1xf32>
    %add3A = arith.addf %get3A_3, %get3A_8 : vector<10000x1xf32>
    %add3A_9 = arith.constant 1.000000e+00 : f32
    %add3A_10 = vector.broadcast %add3A_9 : f32 to vector<10000x1xf32>
    %add3A_11 = arith.addf %add3A, %add3A_10 : vector<10000x1xf32>
    %rsqrt3A = math.rsqrt %add3A_11 : vector<10000x1xf32>
    %get3A_12 = arith.constant 0 : index
    %get3A_13 = arith.constant 0 : index
    %get3A_14 = vector.load %arg0[%get3A_12, %get3A_13] : memref<10000x128xf32, #tpu.memory_space<vmem>>, vector<10000x128xf32>
    %get3A_15 = arith.constant 0 : index
    %get3A_16 = arith.constant 0 : index
    %get3A_17 = vector.load %arg1[%get3A_15, %get3A_16] : memref<128x64xf32, #tpu.memory_space<vmem>>, vector<128x64xf32>
    %dot_general3A = arith.constant dense<0.000000e+00> : vector<10000x64xf32>
    %dot_general3A_18 = tpu.matmul %get3A_14, %get3A_17, %dot_general3A {dimension_numbers = #tpu.dot_dimension_numbers<[1], [0], [0], [1], [0, 0, 1, 1], [], []>, transpose_lhs_hint = false} : vector<10000x128xf32>, vector<128x64xf32>, vector<10000x64xf32> -> vector<10000x64xf32>
    %mul3A = vector.broadcast %rsqrt3A : vector<10000x1xf32> to vector<10000x64xf32>
    %mul3A_19 = arith.mulf %dot_general3A_18, %mul3A : vector<10000x64xf32>
    %swap3A = arith.constant 0 : index
    %swap3A_20 = arith.constant 0 : index
    %swap3A_21 = vector.load %arg3[%swap3A, %swap3A_20] : memref<20000x64xf32, #tpu.memory_space<vmem>>, vector<10000x64xf32>
    tpu.vector_store %arg3[%swap3A, %swap3A_20], %mul3A_19 {strides = array<i32>} : memref<20000x64xf32, #tpu.memory_space<vmem>>, vector<10000x64xf32>,
    %swap3A_22 = arith.constant 10000 : index
    %swap3A_23 = arith.constant 0 : index
    %swap3A_24 = vector.load %arg3[%swap3A_22, %swap3A_23] : memref<20000x64xf32, #tpu.memory_space<vmem>>, vector<10000x64xf32>
    tpu.vector_store %arg3[%swap3A_22, %swap3A_23], %mul3A_19 {strides = array<i32>} : memref<20000x64xf32, #tpu.memory_space<vmem>>, vector<10000x64xf32>,
    %swap3A_25 = arith.constant 0 : index
    %swap3A_26 = arith.constant 0 : index
    %swap3A_27 = vector.load %arg4[%swap3A_25, %swap3A_26] : memref<10000x1xf32, #tpu.memory_space<vmem>>, vector<10000x1xf32>
    tpu.vector_store %arg4[%swap3A_25, %swap3A_26], %rsqrt3A {strides = array<i32>} : memref<10000x1xf32, #tpu.memory_space<vmem>>, vector<10000x1xf32>,
    return
  }
}

module attributes {stable_mosaic.version = 14 : i64} {
  func.func @_mid_body(%arg0: memref<2x10240x64xf32, #tpu.memory_space<vmem>>, %arg1: memref<20000x64xf32, #tpu.memory_space<vmem>>, %arg2: memref<10000x1xf32, #tpu.memory_space<vmem>>, %arg3: memref<1x64xf32, #tpu.memory_space<vmem>>, %arg4: memref<64x64xf32, #tpu.memory_space<vmem>>, %arg5: memref<20000x64xf32, #tpu.memory_space<vmem>>) attributes {dimension_semantics = [], scalar_prefetch = 0 : i64, scratch_operands = 0 : i64, tpu.core_type = #tpu.core_type<tc>} {
    %get3A = arith.constant 0 : index
    %get3A_0 = arith.constant 0 : index
    %get3A_1 = vector.load %arg2[%get3A, %get3A_0] : memref<10000x1xf32, #tpu.memory_space<vmem>>, vector<10000x1xf32>
    %get3A_2 = arith.constant 0 : index
    %get3A_3 = arith.constant 0 : index
    %get3A_4 = arith.constant 0 : index
    %get3A_5 = vector.load %arg0[%get3A_2, %get3A_3, %get3A_4] : memref<2x10240x64xf32, #tpu.memory_space<vmem>>, vector<1x10000x64xf32>
    %get3A_6 = vector.shape_cast %get3A_5 : vector<1x10000x64xf32> to vector<10000x64xf32>
    %get3A_7 = arith.constant 1 : index
    %get3A_8 = arith.constant 0 : index
    %get3A_9 = arith.constant 0 : index
    %get3A_10 = vector.load %arg0[%get3A_7, %get3A_8, %get3A_9] : memref<2x10240x64xf32, #tpu.memory_space<vmem>>, vector<1x10000x64xf32>
    %get3A_11 = vector.shape_cast %get3A_10 : vector<1x10000x64xf32> to vector<10000x64xf32>
    %add3A = arith.addf %get3A_6, %get3A_11 : vector<10000x64xf32>
    %get3A_12 = arith.constant 0 : index
    %get3A_13 = arith.constant 0 : index
    %get3A_14 = vector.load %arg1[%get3A_12, %get3A_13] : memref<20000x64xf32, #tpu.memory_space<vmem>>, vector<10000x64xf32>
    %add3A_15 = arith.addf %add3A, %get3A_14 : vector<10000x64xf32>
    %mul3A = vector.broadcast %get3A_1 : vector<10000x1xf32> to vector<10000x64xf32>
    %mul3A_16 = arith.mulf %add3A_15, %mul3A : vector<10000x64xf32>
    %get3A_17 = arith.constant 0 : index
    %get3A_18 = arith.constant 0 : index
    %get3A_19 = vector.load %arg3[%get3A_17, %get3A_18] : memref<1x64xf32, #tpu.memory_space<vmem>>, vector<1x64xf32>
    %add3A_20 = vector.broadcast %get3A_19 : vector<1x64xf32> to vector<10000x64xf32>
    %add3A_21 = arith.addf %mul3A_16, %add3A_20 : vector<10000x64xf32>
    %max3A = arith.constant 0.000000e+00 : f32
    %max3A_22 = vector.broadcast %max3A : f32 to vector<10000x64xf32>
    %max3A_23 = arith.maximumf %add3A_21, %max3A_22 : vector<10000x64xf32>
    %get3A_24 = arith.constant 0 : index
    %get3A_25 = arith.constant 0 : index
    %get3A_26 = vector.load %arg4[%get3A_24, %get3A_25] : memref<64x64xf32, #tpu.memory_space<vmem>>, vector<64x64xf32>
    %dot_general3A = arith.constant dense<0.000000e+00> : vector<10000x64xf32>
    %dot_general3A_27 = tpu.matmul %max3A_23, %get3A_26, %dot_general3A {dimension_numbers = #tpu.dot_dimension_numbers<[1], [0], [0], [1], [0, 0, 1, 1], [], []>, transpose_lhs_hint = false} : vector<10000x64xf32>, vector<64x64xf32>, vector<10000x64xf32> -> vector<10000x64xf32>
    %mul3A_28 = vector.broadcast %get3A_1 : vector<10000x1xf32> to vector<10000x64xf32>
    %mul3A_29 = arith.mulf %dot_general3A_27, %mul3A_28 : vector<10000x64xf32>
    %swap3A = arith.constant 0 : index
    %swap3A_30 = arith.constant 0 : index
    %swap3A_31 = vector.load %arg5[%swap3A, %swap3A_30] : memref<20000x64xf32, #tpu.memory_space<vmem>>, vector<10000x64xf32>
    tpu.vector_store %arg5[%swap3A, %swap3A_30], %mul3A_29 {strides = array<i32>} : memref<20000x64xf32, #tpu.memory_space<vmem>>, vector<10000x64xf32>,
    %swap3A_32 = arith.constant 10000 : index
    %swap3A_33 = arith.constant 0 : index
    %swap3A_34 = vector.load %arg5[%swap3A_32, %swap3A_33] : memref<20000x64xf32, #tpu.memory_space<vmem>>, vector<10000x64xf32>
    tpu.vector_store %arg5[%swap3A_32, %swap3A_33], %mul3A_29 {strides = array<i32>} : memref<20000x64xf32, #tpu.memory_space<vmem>>, vector<10000x64xf32>,
    return
  }
}

module attributes {stable_mosaic.version = 14 : i64} {
  func.func @_fin_body(%arg0: memref<2x10240x64xf32, #tpu.memory_space<vmem>>, %arg1: memref<20000x64xf32, #tpu.memory_space<vmem>>, %arg2: memref<10000x1xf32, #tpu.memory_space<vmem>>, %arg3: memref<1x64xf32, #tpu.memory_space<vmem>>, %arg4: memref<10000x64xf32, #tpu.memory_space<vmem>>) attributes {dimension_semantics = [], scalar_prefetch = 0 : i64, scratch_operands = 0 : i64, tpu.core_type = #tpu.core_type<tc>} {
    %get3A = arith.constant 0 : index
    %get3A_0 = arith.constant 0 : index
    %get3A_1 = arith.constant 0 : index
    %get3A_2 = vector.load %arg0[%get3A, %get3A_0, %get3A_1] : memref<2x10240x64xf32, #tpu.memory_space<vmem>>, vector<1x10000x64xf32>
    %get3A_3 = vector.shape_cast %get3A_2 : vector<1x10000x64xf32> to vector<10000x64xf32>
    %get3A_4 = arith.constant 1 : index
    %get3A_5 = arith.constant 0 : index
    %get3A_6 = arith.constant 0 : index
    %get3A_7 = vector.load %arg0[%get3A_4, %get3A_5, %get3A_6] : memref<2x10240x64xf32, #tpu.memory_space<vmem>>, vector<1x10000x64xf32>
    %get3A_8 = vector.shape_cast %get3A_7 : vector<1x10000x64xf32> to vector<10000x64xf32>
    %add3A = arith.addf %get3A_3, %get3A_8 : vector<10000x64xf32>
    %get3A_9 = arith.constant 0 : index
    %get3A_10 = arith.constant 0 : index
    %get3A_11 = vector.load %arg1[%get3A_9, %get3A_10] : memref<20000x64xf32, #tpu.memory_space<vmem>>, vector<10000x64xf32>
    %add3A_12 = arith.addf %add3A, %get3A_11 : vector<10000x64xf32>
    %get3A_13 = arith.constant 0 : index
    %get3A_14 = arith.constant 0 : index
    %get3A_15 = vector.load %arg2[%get3A_13, %get3A_14] : memref<10000x1xf32, #tpu.memory_space<vmem>>, vector<10000x1xf32>
    %mul3A = vector.broadcast %get3A_15 : vector<10000x1xf32> to vector<10000x64xf32>
    %mul3A_16 = arith.mulf %add3A_12, %mul3A : vector<10000x64xf32>
    %get3A_17 = arith.constant 0 : index
    %get3A_18 = arith.constant 0 : index
    %get3A_19 = vector.load %arg3[%get3A_17, %get3A_18] : memref<1x64xf32, #tpu.memory_space<vmem>>, vector<1x64xf32>
    %add3A_20 = vector.broadcast %get3A_19 : vector<1x64xf32> to vector<10000x64xf32>
    %add3A_21 = arith.addf %mul3A_16, %add3A_20 : vector<10000x64xf32>
    %swap3A = arith.constant 0 : index
    %swap3A_22 = arith.constant 0 : index
    %swap3A_23 = vector.load %arg4[%swap3A, %swap3A_22] : memref<10000x64xf32, #tpu.memory_space<vmem>>, vector<10000x64xf32>
    tpu.vector_store %arg4[%swap3A, %swap3A_22], %add3A_21 {strides = array<i32>} : memref<10000x64xf32, #tpu.memory_space<vmem>>, vector<10000x64xf32>,
    return
  }
}

</mosaic_0001>

<sc_bundles>
// kernel: kernel.10.cloned.1.call-start
scs
__scs_entry_jumppad:
0x0: {  	(pc) =	sbr.rel $0x88, $3  }
0x1: {  	(tag) =	ssettag $0x0;
	lr =	simm.s32 $0x1  }
0x2: {  	[smem:$0x3F99] =	sst lr;
	_ =	strace $0xD0000000  }
0x3: {  	_ = 	snop  }
0x4: {  	_ = 	snop  }
0x5: {  	_ = 	snop  }
0x6: {  	_ = 	snop  }
0x7: {  	_ = 	snop  }
__scs_overlays_trampoline_lowered:
0x8: {  	[smem:$0x3FA8] =	sst s0  }
0x9: {  	[smem:$0x3FA9] =	sst s1  }
0xa: {  	[smem:$0x3FAA] =	sst s2  }
0xb: {  	[smem:$0x3FAB] =	sst s3  }
0xc: {  	[smem:$0x3FAC] =	sst s4  }
0xd: {  	[smem:$0x3FAD] =	sst s5  }
0xe: {  	[smem:$0x3FAE] =	sst s6  }
0xf: {  	[smem:$0x3FAF] =	sst s7  }
0x10: {  	[smem:$0x3FB0] =	sst s8  }
0x11: {  	[smem:$0x3FB1] =	sst s9;
	s0 =	simm.s32 @!p0 $0x0  }
0x12: {  	s1 =	sld [smem:$0x3F97];
	s0 =	simm.s32 @p0 $0x1  }
0x13: {  	[smem:$0x3FB2] =	sst s0;
	s0 =	simm.s32 @!p1 $0x0  }
0x14: {  	s2 =	sld [smem:$0x3F96];
	s0 =	simm.s32 @p1 $0x1  }
0x15: {  	[smem:$0x3FB3] =	sst s0;
	s0 =	simm.s32 @!p2 $0x0  }
0x16: {  	s3 =	sld [smem:$0x3FDB];
	s0 =	simm.s32 @p2 $0x1  }
0x17: {  	s4 =	simm.s32 $0x1BF5;
	[smem:$0x3FB5] =	sst s0  }
0x18: {  	s0 =	sld [smem:$0x3F98];
	_ =	swait.ge [sflag:s4], $0x0  }
0x19: {  	s7 =	sld [smem:$0x3F99]  }
0x1a: {  	s8 =	sadd.s32 $0xFFFFE003, lr  }
0x1b: {  	s9 =	sadd.s32 $0xFFFFFEF7, lr;
	s5 =	simm.s32 $0xFFFFFFFF;
	p2 =	slt.u32 s8, $0xFFFFF086  }
0x1c: {  	p1 =	slt.u32 s9, $0xF7A;
	s5 =	simm.s32 @!p2 $0x0  }
0x1d: {  	s5 =	simm.s32 @p1 $0x1;
	p0 =	seq.s32 s7, s2  }
0x1e: {  	s7 =	smul.u32 @!p0 $0xF7A, s2;
	p2 =	seq.s32 @!p0 s5, $0x0  }
0x1f: {  	s9 =	smul.u32 $0xF7A, s1;
	s8 =	simm.s32 @!p0 $0x1BF5;
	p2 =	por !p2, p0  }
0x20: {  	[sflag:s8] =	ssyncset.s32 @!p0 $0xFFFFF086;
	s6 =	sadd.s32 @!p0 s3, s7;
	s7 =	simm.s32 @!p0 $0x108  }
0x21: {  	s3 =	sadd.s32 s3, s9;
	s6 =	sadd.s32 @!p0 $0x88, s6;
	s7 =	simm.s32 @p2 $0x1082  }
0x22: {  	[simem:s7], [sflag:s8] =	dma.local @!p0 [hbm:s6], $0xF7A  }
0x23: {  	s9 =	sor.u32 $0xD0000000, s2;
	s6 =	simm.s32 $0x108;
	_ =	swait.ge @!p0 [sflag:s8], $0x0  }
0x24: {  	s3 =	sadd.s32 $0x88, s3;
	s6 =	simm.s32 @!p1 $0x1082;
	[sflag:s4] =	ssyncset.s32 $0xFFFFF086  }
0x25: {  	[simem:s6], [sflag:s4] =	dma.local [hbm:s3], $0xF7A  }
0x26: {  	[smem:$0x3F99] =	sst s1;
	(tag) =	ssettag s2;
	_ =	strace s9  }
0x27: {  	s1 =	sld [smem:$0x3FA9]  }
0x28: {  	s2 =	sld [smem:$0x3FAA]  }
0x29: {  	s4 =	sld [smem:$0x3FAC]  }
0x2a: {  	p0 =	seq.s32 s5, $0x0;
	s5 =	sld [smem:$0x3FAD]  }
0x2b: {  	s6 =	sld [smem:$0x3FAE]  }
0x2c: {  	s7 =	sld [smem:$0x3FAF]  }
0x2d: {  	s3 =	simm.s32 $0x108;
	s8 =	sld [smem:$0x3FB0]  }
0x2e: {  	s3 =	simm.s32 @!p0 $0x1082;
	s9 =	sld [smem:$0x3FB1]  }
0x2f: {  	lr =	sadd.s32 s0, s3;
	s0 =	sld [smem:$0x3FA8]  }
0x30: {  	s3 =	sld [smem:$0x3FAB]  }
0x31: {  	[smem:$0x3FB4] =	sst s10  }
0x32: {  	s10 =	sld [smem:$0x3FB2];
	_ =	sdelay $0x3  }
0x33: {  	p0 =	seq.s32 s10, $0x1;
	s10 =	sld [smem:$0x3FB4];
	_ =	sdelay $0x3  }
0x34: {  	[smem:$0x3FB4] =	sst s10  }
0x35: {  	s10 =	sld [smem:$0x3FB3];
	_ =	sdelay $0x3  }
0x36: {  	p1 =	seq.s32 s10, $0x1;
	s10 =	sld [smem:$0x3FB4];
	_ =	sdelay $0x3  }
0x37: {  	[smem:$0x3FB4] =	sst s10  }
0x38: {  	s10 =	sld [smem:$0x3FB5]  }
0x39: {  	_ = 	snop;
	(pc) =	sbr.ind lr, $3  }
0x3a: {  	_ = 	snop  }
0x3b: {  	_ = 	snop  }
0x3c: {  	p2 =	seq.s32 s10, $0x1;
	s10 =	sld [smem:$0x3FB4]  }
0x3d: {  	_ =	shalt  }
0x3e: {  	_ =	shalt  }
0x3f: {  	_ =	shalt  }
0x40: {  	_ =	shalt  }
0x41: {  	_ =	shalt  }
0x42: {  	_ =	shalt  }
0x43: {  	_ =	shalt  }
0x44: {  	_ =	shalt  }
0x45: {  	_ =	shalt  }
0x46: {  	_ =	shalt  }
0x47: {  	_ =	shalt  }
0x48: {  	_ =	shalt  }
0x49: {  	_ =	shalt  }
0x4a: {  	_ =	shalt  }
0x4b: {  	_ =	shalt  }
0x4c: {  	_ =	shalt  }
0x4d: {  	_ =	shalt  }
0x4e: {  	_ =	shalt  }
0x4f: {  	_ =	shalt  }
0x50: {  	_ =	shalt  }
0x51: {  	_ =	shalt  }
0x52: {  	_ =	shalt  }
0x53: {  	_ =	shalt  }
0x54: {  	_ =	shalt  }
0x55: {  	_ =	shalt  }
0x56: {  	_ =	shalt  }
0x57: {  	_ =	shalt  }
0x58: {  	_ =	shalt  }
0x59: {  	_ =	shalt  }
0x5a: {  	_ =	shalt  }
0x5b: {  	_ =	shalt  }
0x5c: {  	_ =	shalt  }
0x5d: {  	_ =	shalt  }
0x5e: {  	_ =	shalt  }
0x5f: {  	_ =	shalt  }
0x60: {  	_ =	shalt  }
0x61: {  	_ =	shalt  }
0x62: {  	_ =	shalt  }
0x63: {  	_ =	shalt  }
0x64: {  	_ =	shalt  }
0x65: {  	_ =	shalt  }
0x66: {  	_ =	shalt  }
0x67: {  	_ =	shalt  }
0x68: {  	_ =	shalt  }
0x69: {  	_ =	shalt  }
0x6a: {  	_ =	shalt  }
0x6b: {  	_ =	shalt  }
0x6c: {  	_ =	shalt  }
0x6d: {  	_ =	shalt  }
0x6e: {  	_ =	shalt  }
0x6f: {  	_ =	shalt  }
0x70: {  	_ =	shalt  }
0x71: {  	_ =	shalt  }
0x72: {  	_ =	shalt  }
0x73: {  	_ =	shalt  }
0x74: {  	_ =	shalt  }
0x75: {  	_ =	shalt  }
0x76: {  	_ =	shalt  }
0x77: {  	_ =	shalt  }
0x78: {  	_ =	shalt  }
0x79: {  	_ =	shalt  }
0x7a: {  	_ =	shalt  }
0x7b: {  	_ =	shalt  }
0x7c: {  	_ =	shalt  }
0x7d: {  	_ =	shalt  }
0x7e: {  	_ =	shalt  }
0x7f: {  	_ =	shalt  }
0x80: {  	_ =	shalt  }
0x81: {  	_ =	shalt  }
0x82: {  	_ =	shalt  }
0x83: {  	_ =	shalt  }
0x84: {  	_ =	shalt  }
0x85: {  	_ =	shalt  }
0x86: {  	_ =	shalt  }
0x87: {  	_ =	shalt  }
.Lfunc_end0:
.L_simem_size_0:
called_computation_lowered:
.L_overlay_start_0:
0x88: {  	s2 =	sld [smem:$0x3FD9]  }
0x89: {  	s3 =	sld [smem:$0x3FFE];
	_ =	sdelay $0x1  }
0x8a: {  	s1 =	srdreg.scid  }
0x8b: {  	s0 =	sand.u32 $0x1, s1  }
0x8c: {  	s17 =	sshll.u32 s0, $0xA;
	s2 =	sadd.s32 s3, s2  }
0x8d: {  	s2 =	sadd.s32 s2, s17  }
0x8e: {  	[smem:$0x3FC0] =	sst s2  }
0x8f: {  	_ = 	snop  }
0x90: {  	s2 =	sld [smem:$0x3FD0];
	(tm) =	ssettm $0x1  }
0x91: {  	s18 =	sld [smem:$0x3FFB];
	_ =	sdelay $0x3  }
0x92: {  	_ =	strace s18  }
0x93: {  	s3 =	sld [smem:$0x3FFC];
	_ =	sdelay $0x3  }
0x94: {  	_ =	strace s3  }
0x95: {  	s3 =	sld [smem:$0x3FFD];
	_ =	sdelay $0x3  }
0x96: {  	_ =	strace s3  }
0x97: {  	_ =	strace $0x8FFFFFFF  }
0x98: {  	s19 =	sld [smem:$0x3FDB];
	_ =	sdelay $0x1  }
0x99: {  	s4 =	simm.s32 $_scs_section_size  }
0x9a: {  	s5 =	simm.s32 $_size__tile_overlayer_lowered;
	s6 =	simm.s32 $_tile_overlayer_lowered  }
0x9b: {  	s22 =	simm.s32 $0x1BFF;
	s21 =	sshll.u32 s6, $0x1;
	s3 =	sadd.s32 s4, s19  }
0x9c: {  	s7 =	simm.s32 $0x0;
	s20 =	sshll.u32 s5, $0x1;
	s5 =	sadd.s32 s21, s3  }
0x9d: {  	[timem:s7], [sflag:s22] =	dma.local [hbm:s5], s20  }
0x9e: {  	_ =	swait.ge [sflag:s22], s20  }
0x9f: {  	s4 =	ssub.s32 $0x0, s20;
	[sflag:s22] =	ssyncset.done $0x0  }
0xa0: {  	[sflag:s22] =	ssyncadd.s32 s4;
	_ =	sdelay $0x1  }
0xa1: {  	s23 =	simm.s32 $0x1B8B  }
0xa2: {  	_ =	swait.ge [sflag:s23], $0x1  }
0xa3: {  	[sflag:s23] =	ssyncset.done $0x0  }
0xa4: {  	s25 =	simm.s32 $0x1B8E;
	s24 =	sld [smem:$0x3FFE];
	[sflag:s23] =	ssyncadd.s32 $0xFFFFFFFF  }
0xa5: {  	s26 =	simm.s32 $execute0_lowered;
	[smem:$0x3FD2] =	sst s25  }
0xa6: {  	s5 =	sshll.u32 s26, $0x1;
	_ =	strace $0x80000046;
	[dreg:$0x1] =	wrdreg $0xFFFFFFFF  }
0xa7: {  	s28 =	simm.s32 $_size_execute0_lowered;
	s3 =	sadd.s32 s3, s5;
	[dreg:$0x0] =	wrdreg $0x0  }
0xa8: {  	s5 =	sshll.u32 s28, $0x1;
	[dreg:$0x2] =	wrdreg s3  }
0xa9: {  	[dreg:$0x3] =	wrdreg s5  }
0xaa: {  	[dreg:$0x4] =	wrdreg $0xC0  }
0xab: {  	_ =	task [dreg:s7], $0x5FFFF  }
0xac: {  	[dreg:$0x1] =	wrdreg $0xFFFFFFFF  }
0xad: {  	[dreg:$0x0] =	wrdreg $0x60  }
0xae: {  	[dreg:$0x2] =	wrdreg s2  }
0xaf: {  	[dreg:$0x3] =	wrdreg s24  }
0xb0: {  	[dreg:$0x4] =	wrdreg $0x44000  }
0xb1: {  	[dreg:$0x5] =	wrdreg $0x9  }
0xb2: {  	_ =	task.clear_ibuf [dreg:s7], $0x6FFFF;
	_ =	strace $0x90000046  }
0xb3: {  	s29 =	simm.s32 $0x9;
	_ =	strace $0x80000048  }
0xb4: {  	_ =	swait.ge [sflag:s29], $0x1  }
0xb5: {  	[sflag:s29] =	ssyncadd.s32 $0xFFFFFFFF  }
0xb6: {  	_ =	strace $0x90000048  }
0xb7: {  	_ =	sfence  }
0xb8: {  	s30 =	sld [smem:$0x0];
	_ =	sdelay $0x2  }
0xb9: {  	s31 =	sshll.u32 s1, $0xD;
	s1 =	sshrl.u32 s1, $0x2  }
0xba: {  	s3 =	sand.u32 $0x4000, s31;
	s1 =	sadd.s32 s1, s30  }
0xbb: {  	s0 =	sor.u32 s3, s0;
	s1 =	sshll.u32 s1, $0x11  }
0xbc: {  	s0 =	sor.u32 s1, s0  }
0xbd: {  	s0 =	sadd.s32 $0x8F2B, s0  }
0xbe: {  	[sflag:s0] =	ssyncadd.remote.s32 $0x1  }
0xbf: {  	_ =	sfence.sel $0xFFFF  }
0xc0: {  	[dreg:$0x0] =	wrdreg $0xFFFFFFFF;
	(pc) =	sbr.abs _section_cstart, $3  }
0xc1: {  	[dreg:$0x1] =	wrdreg $0xFFFFFFFF  }
0xc2: {  	_ =	task.clear_ibuf [dreg:s7], $0x2FFFF;
	_ =	strace $0x9FFFFFFF  }
0xc3: {  	(tm) =	ssettm $0x7FFFFFFF  }
tec
execute0_lowered:
.L_overlay_start_1:
0x0: {  	(tag) =	ssettag $0x1  }
0x1: {  	s6 =	rddreg [dreg:$0x0]  }
0x2: {  	s0 =	srdreg.scid;
	s7 =	rddreg [dreg:$0x1]  }
0x3: {  	s2 =	rddreg [dreg:$0x2];
	s1 =	stileid.u32;
	s3 =	simm.s32 $0x0  }
0x4: {  	s13 =	simm.s32 $0x100;
	s8 =	sand.u32 $0x1, s0;
	s0 =	rddreg [dreg:$0x3]  }
0x5: {  	s14 =	simm.s32 $0x0;
	[smem:$0x7FF] =	sst s3;
	s11 =	smul.u32 $0x5000, s1  }
0x6: {  	s5 =	sadd.s32 $0x2600, s7;
	s31 =	sshll.u32 s1, $0x6;
	s4 =	sshll.u32 s8, $0x4  }
0x7: {  	_ =	strace $0x80000047;
	s8 =	ssub.s32 $0x2, s8;
	s9 =	sor.u32 s1, s4  }
0x8: {  	s4 =	sadd.s32 $0x2800, s7;
	s30 =	sshrl.u32 s8, $0x1;
	s10 =	smul.u32 $0x280, s9  }
0x9: {  	s11 =	sshrl.u32 s11, $0x2;
	s9 =	smul.u32 $0x780, s9;
	s8 =	ssub.s32 s8, s30  }
0xa: {  	s12 =	sadd.s32 s11, s2;
	s11 =	sor.u32 $0x1C01, s31;
	s8 =	smax.u32 s8, $0x1  }
0xb: {  	s12 =	sshrl.u32 s12, $0x3;
	s7 =	sadd.s32 s10, s7;
	s6 =	sadd.s32 s6, s9  }
0xc: {  	s9 =	simm.s32 $0x1;
	s10 =	simm.s32 $0x3C00;
	s7 =	sadd.s32 $0x2C00, s7  }
.LBB2_1:
0xd: {  	[tilespmem:s3], [sflag:$0x1] =	stream.linear.gather [hbm4b:s6+s3], $0x3C00, $0x38;
	[tilespmem:$0x4E00] =	vst v63  }
0xe: {  	_ =	swait.ge [sflag:s9], $0x3C00  }
0xf: {  	[sflag:s9] =	ssyncset.done $0x0  }
0x10: {  	[sflag:s9] =	ssyncadd.s32 $0xFFFFC400  }
0x11: {  	[tilespmem:s10], [sflag:$0x1] =	stream.linear.gather [hbm4b:s5+s3], $0x800, $0x38;
	[tilespmem:$0x4E00] =	vst v63  }
0x12: {  	_ =	swait.ge [sflag:s9], $0x800  }
0x13: {  	[sflag:s9] =	ssyncset.done $0x0  }
0x14: {  	[sflag:s9] =	ssyncadd.s32 $0xFFFFF800  }
0x15: {  	[spmem:s12], [sflag:s11] =	dma.local [hbm:s4], $0x280  }
0x16: {  	_ =	swait.ge [sflag:s9], $0x280  }
0x17: {  	[sflag:s9] =	ssyncset.done $0x0  }
0x18: {  	[sflag:s9] =	ssyncadd.s32 $0xFFFFFD80  }
0x19: {  	s15 =	simm.s32 $0x0;
	[bflag:$0x0] =	sbarrier.arrive $0xFFFF  }
0x1a: {  	[spmem:s2] =	stream.indirect.scatter.add.f32 [tilespmem:s10], [sflag:$0x1], $0x4, s15, s13, $0xb8;
	[tilespmem:$0x4E00] =	vst v63  }
0x1b: {  	_ =	swait.ge [sflag:s9], $0x400  }
0x1c: {  	s15 =	simm.s32 $0x400;
	[sflag:s9] =	ssyncset.done $0x0  }
.LBB2_2:
0x1d: {  	s16 =	sshra.s32 s15, $0x2;
	[sflag:s9] =	ssyncadd.s32 $0xFFFFFC00;
	p0 =	sne.s32 s15, $0xEC00  }
0x1e: {  	[spmem:s2] =	stream.indirect.scatter.add.f32 [tilespmem:s10], [sflag:$0x1], $0x4, s16, s13, $0xb8;
	[tilespmem:$0x4E00] =	vst v63  }
.Ltmp0:
0x1f: {  	_ = 	snop;
	(pc) =	sbr.rel @p0 .LBB2_2-.Ltmp0, $4  }
0x20: {  	_ = 	snop  }
0x21: {  	s15 =	sadd.s32 $0x400, s15  }
0x22: {  	_ =	swait.ge [sflag:s9], $0x400  }
0x23: {  	[sflag:s9] =	ssyncset.done $0x0  }
0x24: {  	s14 =	sadd.s32 $0x1, s14  }
0x25: {  	[sflag:s9] =	ssyncadd.s32 $0xFFFFFC00;
	p0 =	sne.s32 s14, s8  }
.Ltmp1:
0x26: {  	[bflag:$0x0] =	sbarrier.arrive $0xFFFF;
	(pc) =	sbr.rel @p0 .LBB2_1-.Ltmp1, $4  }
0x27: {  	[hbm:s7], [sflag:s11] =	dma.local [spmem:s12], $0x280  }
0x28: {  	_ =	swait.ge [sflag:s9], $0x280  }
0x29: {  	[sflag:s9] =	ssyncset.done $0x0  }
0x2a: {  	[sflag:s9] =	ssyncadd.s32 $0xFFFFFD80  }
0x2b: {  	_ =	sfence.sel $0x180000  }
0x2c: {  	[bflag:$0x0] =	sbarrier.arrive $0xFFFF  }
0x2d: {  	p0 =	sne.s32 s1, $0x0;
	_ =	strace $0x90000047  }
0x2e: {  	s0 =	sadd.s32 @!p0 $0x100000, s0;
	[bflag:$0x2] =	sbarrier.arrive $0xFFFF  }
0x2f: {  	[sflag:s0] =	ssyncadd.tile.s32 @!p0 $0x1;
	_ =	shalt  }
.Lfunc_end2:
_tile_overlayer_lowered:
.L_overlay_start_2:
0x30: {  	(tag) =	ssettag $0x2  }
0x31: {  	s0 =	rddreg [dreg:$0x0];
	s2 =	stileid.u32  }
0x32: {  	s1 =	rddreg [dreg:$0x1];
	p0 =	sne.s32 s2, $0x0  }
0x33: {  	s3 =	rddreg [dreg:$0x2];
	[bflag:$0x3] =	sbarrier.arrive $0xFFFF;
	s2 =	simm.s32 @!p0 $0x1C01  }
0x34: {  	[timem:s3], [sflag:s2] =	dma.local @!p0 [hbm:s0], s1  }
0x35: {  	s0 =	simm.s32 @!p0 $0x1  }
0x36: {  	_ =	swait.ge @!p0 [sflag:s0], s1  }
0x37: {  	s1 =	ssub.s32 @!p0 $0x0, s1;
	[sflag:s0] =	ssyncset.done @!p0 $0x0  }
0x38: {  	[sflag:s0] =	ssyncadd.s32 @!p0 s1  }
0x39: {  	[bflag:$0x3] =	sbarrier.arrive $0xFFFF  }
0x3a: {  	_ =	shalt  }

// kernel: kernel.13.cloned.1.call-start
scs
__scs_entry_jumppad:
0x0: {  	(pc) =	sbr.rel $0x88, $3  }
0x1: {  	(tag) =	ssettag $0x0;
	lr =	simm.s32 $0x1  }
0x2: {  	[smem:$0x3F99] =	sst lr;
	_ =	strace $0xD0000000  }
0x3: {  	_ = 	snop  }
0x4: {  	_ = 	snop  }
0x5: {  	_ = 	snop  }
0x6: {  	_ = 	snop  }
0x7: {  	_ = 	snop  }
__scs_overlays_trampoline_lowered:
0x8: {  	[smem:$0x3FA8] =	sst s0  }
0x9: {  	[smem:$0x3FA9] =	sst s1  }
0xa: {  	[smem:$0x3FAA] =	sst s2  }
0xb: {  	[smem:$0x3FAB] =	sst s3  }
0xc: {  	[smem:$0x3FAC] =	sst s4  }
0xd: {  	[smem:$0x3FAD] =	sst s5  }
0xe: {  	[smem:$0x3FAE] =	sst s6  }
0xf: {  	[smem:$0x3FAF] =	sst s7  }
0x10: {  	[smem:$0x3FB0] =	sst s8  }
0x11: {  	[smem:$0x3FB1] =	sst s9;
	s0 =	simm.s32 @!p0 $0x0  }
0x12: {  	s1 =	sld [smem:$0x3F97];
	s0 =	simm.s32 @p0 $0x1  }
0x13: {  	[smem:$0x3FB2] =	sst s0;
	s0 =	simm.s32 @!p1 $0x0  }
0x14: {  	s2 =	sld [smem:$0x3F96];
	s0 =	simm.s32 @p1 $0x1  }
0x15: {  	[smem:$0x3FB3] =	sst s0;
	s0 =	simm.s32 @!p2 $0x0  }
0x16: {  	s3 =	sld [smem:$0x3FDB];
	s0 =	simm.s32 @p2 $0x1  }
0x17: {  	s4 =	simm.s32 $0x1BF5;
	[smem:$0x3FB5] =	sst s0  }
0x18: {  	s0 =	sld [smem:$0x3F98];
	_ =	swait.ge [sflag:s4], $0x0  }
0x19: {  	s7 =	sld [smem:$0x3F99]  }
0x1a: {  	s8 =	sadd.s32 $0xFFFFE003, lr  }
0x1b: {  	s9 =	sadd.s32 $0xFFFFFEF7, lr;
	s5 =	simm.s32 $0xFFFFFFFF;
	p2 =	slt.u32 s8, $0xFFFFF086  }
0x1c: {  	p1 =	slt.u32 s9, $0xF7A;
	s5 =	simm.s32 @!p2 $0x0  }
0x1d: {  	s5 =	simm.s32 @p1 $0x1;
	p0 =	seq.s32 s7, s2  }
0x1e: {  	s7 =	smul.u32 @!p0 $0xF7A, s2;
	p2 =	seq.s32 @!p0 s5, $0x0  }
0x1f: {  	s9 =	smul.u32 $0xF7A, s1;
	s8 =	simm.s32 @!p0 $0x1BF5;
	p2 =	por !p2, p0  }
0x20: {  	[sflag:s8] =	ssyncset.s32 @!p0 $0xFFFFF086;
	s6 =	sadd.s32 @!p0 s3, s7;
	s7 =	simm.s32 @!p0 $0x108  }
0x21: {  	s3 =	sadd.s32 s3, s9;
	s6 =	sadd.s32 @!p0 $0x88, s6;
	s7 =	simm.s32 @p2 $0x1082  }
0x22: {  	[simem:s7], [sflag:s8] =	dma.local @!p0 [hbm:s6], $0xF7A  }
0x23: {  	s9 =	sor.u32 $0xD0000000, s2;
	s6 =	simm.s32 $0x108;
	_ =	swait.ge @!p0 [sflag:s8], $0x0  }
0x24: {  	s3 =	sadd.s32 $0x88, s3;
	s6 =	simm.s32 @!p1 $0x1082;
	[sflag:s4] =	ssyncset.s32 $0xFFFFF086  }
0x25: {  	[simem:s6], [sflag:s4] =	dma.local [hbm:s3], $0xF7A  }
0x26: {  	[smem:$0x3F99] =	sst s1;
	(tag) =	ssettag s2;
	_ =	strace s9  }
0x27: {  	s1 =	sld [smem:$0x3FA9]  }
0x28: {  	s2 =	sld [smem:$0x3FAA]  }
0x29: {  	s4 =	sld [smem:$0x3FAC]  }
0x2a: {  	p0 =	seq.s32 s5, $0x0;
	s5 =	sld [smem:$0x3FAD]  }
0x2b: {  	s6 =	sld [smem:$0x3FAE]  }
0x2c: {  	s7 =	sld [smem:$0x3FAF]  }
0x2d: {  	s3 =	simm.s32 $0x108;
	s8 =	sld [smem:$0x3FB0]  }
0x2e: {  	s3 =	simm.s32 @!p0 $0x1082;
	s9 =	sld [smem:$0x3FB1]  }
0x2f: {  	lr =	sadd.s32 s0, s3;
	s0 =	sld [smem:$0x3FA8]  }
0x30: {  	s3 =	sld [smem:$0x3FAB]  }
0x31: {  	[smem:$0x3FB4] =	sst s10  }
0x32: {  	s10 =	sld [smem:$0x3FB2];
	_ =	sdelay $0x3  }
0x33: {  	p0 =	seq.s32 s10, $0x1;
	s10 =	sld [smem:$0x3FB4];
	_ =	sdelay $0x3  }
0x34: {  	[smem:$0x3FB4] =	sst s10  }
0x35: {  	s10 =	sld [smem:$0x3FB3];
	_ =	sdelay $0x3  }
0x36: {  	p1 =	seq.s32 s10, $0x1;
	s10 =	sld [smem:$0x3FB4];
	_ =	sdelay $0x3  }
0x37: {  	[smem:$0x3FB4] =	sst s10  }
0x38: {  	s10 =	sld [smem:$0x3FB5]  }
0x39: {  	_ = 	snop;
	(pc) =	sbr.ind lr, $3  }
0x3a: {  	_ = 	snop  }
0x3b: {  	_ = 	snop  }
0x3c: {  	p2 =	seq.s32 s10, $0x1;
	s10 =	sld [smem:$0x3FB4]  }
0x3d: {  	_ =	shalt  }
0x3e: {  	_ =	shalt  }
0x3f: {  	_ =	shalt  }
0x40: {  	_ =	shalt  }
0x41: {  	_ =	shalt  }
0x42: {  	_ =	shalt  }
0x43: {  	_ =	shalt  }
0x44: {  	_ =	shalt  }
0x45: {  	_ =	shalt  }
0x46: {  	_ =	shalt  }
0x47: {  	_ =	shalt  }
0x48: {  	_ =	shalt  }
0x49: {  	_ =	shalt  }
0x4a: {  	_ =	shalt  }
0x4b: {  	_ =	shalt  }
0x4c: {  	_ =	shalt  }
0x4d: {  	_ =	shalt  }
0x4e: {  	_ =	shalt  }
0x4f: {  	_ =	shalt  }
0x50: {  	_ =	shalt  }
0x51: {  	_ =	shalt  }
0x52: {  	_ =	shalt  }
0x53: {  	_ =	shalt  }
0x54: {  	_ =	shalt  }
0x55: {  	_ =	shalt  }
0x56: {  	_ =	shalt  }
0x57: {  	_ =	shalt  }
0x58: {  	_ =	shalt  }
0x59: {  	_ =	shalt  }
0x5a: {  	_ =	shalt  }
0x5b: {  	_ =	shalt  }
0x5c: {  	_ =	shalt  }
0x5d: {  	_ =	shalt  }
0x5e: {  	_ =	shalt  }
0x5f: {  	_ =	shalt  }
0x60: {  	_ =	shalt  }
0x61: {  	_ =	shalt  }
0x62: {  	_ =	shalt  }
0x63: {  	_ =	shalt  }
0x64: {  	_ =	shalt  }
0x65: {  	_ =	shalt  }
0x66: {  	_ =	shalt  }
0x67: {  	_ =	shalt  }
0x68: {  	_ =	shalt  }
0x69: {  	_ =	shalt  }
0x6a: {  	_ =	shalt  }
0x6b: {  	_ =	shalt  }
0x6c: {  	_ =	shalt  }
0x6d: {  	_ =	shalt  }
0x6e: {  	_ =	shalt  }
0x6f: {  	_ =	shalt  }
0x70: {  	_ =	shalt  }
0x71: {  	_ =	shalt  }
0x72: {  	_ =	shalt  }
0x73: {  	_ =	shalt  }
0x74: {  	_ =	shalt  }
0x75: {  	_ =	shalt  }
0x76: {  	_ =	shalt  }
0x77: {  	_ =	shalt  }
0x78: {  	_ =	shalt  }
0x79: {  	_ =	shalt  }
0x7a: {  	_ =	shalt  }
0x7b: {  	_ =	shalt  }
0x7c: {  	_ =	shalt  }
0x7d: {  	_ =	shalt  }
0x7e: {  	_ =	shalt  }
0x7f: {  	_ =	shalt  }
0x80: {  	_ =	shalt  }
0x81: {  	_ =	shalt  }
0x82: {  	_ =	shalt  }
0x83: {  	_ =	shalt  }
0x84: {  	_ =	shalt  }
0x85: {  	_ =	shalt  }
0x86: {  	_ =	shalt  }
0x87: {  	_ =	shalt  }
.Lfunc_end0:
.L_simem_size_0:
called_computation.1_lowered:
.L_overlay_start_0:
0x88: {  	s2 =	sld [smem:$0x3FD9]  }
0x89: {  	s3 =	sld [smem:$0x3FFE];
	_ =	sdelay $0x1  }
0x8a: {  	s1 =	srdreg.scid  }
0x8b: {  	s0 =	sand.u32 $0x1, s1  }
0x8c: {  	s17 =	sshll.u32 s0, $0xA;
	s2 =	sadd.s32 s3, s2  }
0x8d: {  	s2 =	sadd.s32 s2, s17  }
0x8e: {  	[smem:$0x3FC0] =	sst s2  }
0x8f: {  	_ = 	snop  }
0x90: {  	s2 =	sld [smem:$0x3FD0];
	(tm) =	ssettm $0x1  }
0x91: {  	s18 =	sld [smem:$0x3FFB];
	_ =	sdelay $0x3  }
0x92: {  	_ =	strace s18  }
0x93: {  	s3 =	sld [smem:$0x3FFC];
	_ =	sdelay $0x3  }
0x94: {  	_ =	strace s3  }
0x95: {  	s3 =	sld [smem:$0x3FFD];
	_ =	sdelay $0x3  }
0x96: {  	_ =	strace s3  }
0x97: {  	_ =	strace $0x8FFFFFFF  }
0x98: {  	s19 =	sld [smem:$0x3FDB];
	_ =	sdelay $0x1  }
0x99: {  	s4 =	simm.s32 $_scs_section_size  }
0x9a: {  	s5 =	simm.s32 $_size__tile_overlayer_lowered;
	s6 =	simm.s32 $_tile_overlayer_lowered  }
0x9b: {  	s22 =	simm.s32 $0x1BFF;
	s21 =	sshll.u32 s6, $0x1;
	s3 =	sadd.s32 s4, s19  }
0x9c: {  	s7 =	simm.s32 $0x0;
	s20 =	sshll.u32 s5, $0x1;
	s5 =	sadd.s32 s21, s3  }
0x9d: {  	[timem:s7], [sflag:s22] =	dma.local [hbm:s5], s20  }
0x9e: {  	_ =	swait.ge [sflag:s22], s20  }
0x9f: {  	s4 =	ssub.s32 $0x0, s20;
	[sflag:s22] =	ssyncset.done $0x0  }
0xa0: {  	[sflag:s22] =	ssyncadd.s32 s4;
	_ =	sdelay $0x1  }
0xa1: {  	s23 =	simm.s32 $0x1B8B  }
0xa2: {  	_ =	swait.ge [sflag:s23], $0x1  }
0xa3: {  	[sflag:s23] =	ssyncset.done $0x0  }
0xa4: {  	s25 =	simm.s32 $0x1B8E;
	s24 =	sld [smem:$0x3FFE];
	[sflag:s23] =	ssyncadd.s32 $0xFFFFFFFF  }
0xa5: {  	s26 =	simm.s32 $execute0_lowered;
	[smem:$0x3FD2] =	sst s25  }
0xa6: {  	s5 =	sshll.u32 s26, $0x1;
	_ =	strace $0x80000049;
	[dreg:$0x1] =	wrdreg $0xFFFFFFFF  }
0xa7: {  	s28 =	simm.s32 $_size_execute0_lowered;
	s3 =	sadd.s32 s3, s5;
	[dreg:$0x0] =	wrdreg $0x0  }
0xa8: {  	s5 =	sshll.u32 s28, $0x1;
	[dreg:$0x2] =	wrdreg s3  }
0xa9: {  	[dreg:$0x3] =	wrdreg s5  }
0xaa: {  	[dreg:$0x4] =	wrdreg $0xC0  }
0xab: {  	_ =	task [dreg:s7], $0x5FFFF  }
0xac: {  	[dreg:$0x1] =	wrdreg $0xFFFFFFFF  }
0xad: {  	[dreg:$0x0] =	wrdreg $0x60  }
0xae: {  	[dreg:$0x2] =	wrdreg s24  }
0xaf: {  	[dreg:$0x3] =	wrdreg s2  }
0xb0: {  	[dreg:$0x4] =	wrdreg $0x138000  }
0xb1: {  	[dreg:$0x5] =	wrdreg $0x9  }
0xb2: {  	_ =	task.clear_ibuf [dreg:s7], $0x6FFFF;
	_ =	strace $0x90000049  }
0xb3: {  	s29 =	simm.s32 $0x9;
	_ =	strace $0x8000004B  }
0xb4: {  	_ =	swait.ge [sflag:s29], $0x1  }
0xb5: {  	[sflag:s29] =	ssyncadd.s32 $0xFFFFFFFF  }
0xb6: {  	_ =	strace $0x9000004B  }
0xb7: {  	_ =	sfence  }
0xb8: {  	s30 =	sld [smem:$0x0];
	_ =	sdelay $0x2  }
0xb9: {  	s31 =	sshll.u32 s1, $0xD;
	s1 =	sshrl.u32 s1, $0x2  }
0xba: {  	s3 =	sand.u32 $0x4000, s31;
	s1 =	sadd.s32 s1, s30  }
0xbb: {  	s0 =	sor.u32 s3, s0;
	s1 =	sshll.u32 s1, $0x11  }
0xbc: {  	s0 =	sor.u32 s1, s0  }
0xbd: {  	s0 =	sadd.s32 $0x8F2B, s0  }
0xbe: {  	[sflag:s0] =	ssyncadd.remote.s32 $0x1  }
0xbf: {  	_ =	sfence.sel $0xFFFF  }
0xc0: {  	[dreg:$0x0] =	wrdreg $0xFFFFFFFF;
	(pc) =	sbr.abs _section_cstart, $3  }
0xc1: {  	[dreg:$0x1] =	wrdreg $0xFFFFFFFF  }
0xc2: {  	_ =	task.clear_ibuf [dreg:s7], $0x2FFFF;
	_ =	strace $0x9FFFFFFF  }
0xc3: {  	(tm) =	ssettm $0x7FFFFFFF  }
tec
execute0_lowered:
.L_overlay_start_1:
0x0: {  	(tag) =	ssettag $0x1  }
0x1: {  	s0 =	rddreg [dreg:$0x0]  }
0x2: {  	s1 =	srdreg.scid;
	s7 =	rddreg [dreg:$0x1]  }
0x3: {  	s2 =	rddreg [dreg:$0x2];
	s11 =	stileid.u32;
	s3 =	simm.s32 $0x0  }
0x4: {  	s14 =	simm.s32 $0x100;
	s15 =	simm.s32 $0x7800;
	s16 =	simm.s32 $0xB800  }
0x5: {  	s17 =	simm.s32 $0x1;
	s19 =	simm.s32 $0xF800;
	s20 =	simm.s32 $0x2  }
0x6: {  	s21 =	simm.s32 $0x4;
	s23 =	simm.s32 $0x3D00;
	s28 =	simm.s32 $0x3E00  }
0x7: {  	s29 =	simm.s32 $0x6;
	s30 =	simm.s32 $0x500;
	s31 =	simm.s32 $0x3F00  }
0x8: {  	s1 =	sand.u32 $0x1, s1;
	[smem:$0x7FF] =	sst s3;
	s10 =	smul.u32 $0x28000, s11  }
0x9: {  	s26 =	sshll.u32 s11, $0x6;
	s4 =	sshll.u32 s1, $0x4;
	_ =	strace $0x8000004A  }
0xa: {  	s1 =	ssub.s32 $0x2, s1;
	s12 =	sor.u32 $0x1C07, s26;
	s26 =	simm.s32 $0x400  }
0xb: {  	s5 =	sor.u32 s11, s4;
	s4 =	sadd.s32 $0x8C000, s0;
	s24 =	sshrl.u32 s1, $0x1  }
0xc: {  	s25 =	sshrl.u32 s10, $0x2;
	s10 =	simm.s32 $0x7;
	s8 =	smul.u32 $0x780, s5  }
0xd: {  	s11 =	simm.s32 $0x3C00;
	s6 =	smul.u32 $0x1400, s5;
	s5 =	sadd.s32 $0x2600, s0  }
0xe: {  	s1 =	ssub.s32 s1, s24;
	s13 =	sadd.s32 s25, s2;
	s24 =	simm.s32 $0x3  }
0xf: {  	s25 =	simm.s32 $0x5;
	s13 =	sshrl.u32 s13, $0x3;
	s9 =	sadd.s32 s8, s0  }
0x10: {  	s0 =	sadd.s32 s6, s0;
	s7 =	sadd.s32 s7, s8;
	s6 =	sadd.s32 $0x7C00, s9  }
0x11: {  	s8 =	sadd.s32 $0xB3200, s0;
	s9 =	smax.u32 s1, $0x1;
	s0 =	simm.s32 $0x0  }
.LBB2_1:
0x12: {  	[tilespmem:s3], [sflag:$0x7] =	stream.linear.gather [hbm4b:s6+s3], $0x3C00, $0x38;
	[tilespmem:$0x1D800] =	vst v63  }
0x13: {  	_ =	swait.ge [sflag:s10], $0x3C00  }
0x14: {  	[sflag:s10] =	ssyncset.done $0x0  }
0x15: {  	[sflag:s10] =	ssyncadd.s32 $0xFFFFC400  }
0x16: {  	[tilespmem:s11], [sflag:$0x7] =	stream.linear.gather [hbm4b:s7+s3], $0x3C00, $0x38;
	[tilespmem:$0x1D800] =	vst v63  }
0x17: {  	_ =	swait.ge [sflag:s10], $0x3C00  }
0x18: {  	[sflag:s10] =	ssyncset.done $0x0  }
0x19: {  	[sflag:s10] =	ssyncadd.s32 $0xFFFFC400  }
0x1a: {  	[spmem:s13], [sflag:s12] =	dma.local [hbm:s5], $0x1400  }
0x1b: {  	_ =	swait.ge [sflag:s10], $0x1400  }
0x1c: {  	[sflag:s10] =	ssyncset.done $0x0  }
0x1d: {  	[sflag:s10] =	ssyncadd.s32 $0xFFFFEC00  }
0x1e: {  	[bflag:$0x0] =	sbarrier.arrive $0xFFFF  }
0x1f: {  	[tilespmem:s15], [sflag:$0x1] =	stream.indirect.gather [hbm4b:s4+s14], $0x40, s3, s14, $0xb8;
	[tilespmem:$0x1D800] =	vst v63  }
0x20: {  	_ = 	snop  }
0x21: {  	[tilespmem:s16], [sflag:$0x2] =	stream.indirect.gather [hbm4b:s4+s14], $0x40, s14, s14, $0xb8;
	[tilespmem:$0x1D800] =	vst v63  }
0x22: {  	_ =	swait.ge [sflag:s17], $0x4000  }
0x23: {  	[sflag:s17] =	ssyncset.done $0x0  }
0x24: {  	s1 =	simm.s32 $0x200;
	[sflag:s17] =	ssyncadd.s32 $0xFFFFC000  }
0x25: {  	[tilespmem:s19], [sflag:$0x3] =	stream.indirect.gather [hbm4b:s4+s14], $0x40, s1, s14, $0xb8;
	[tilespmem:$0x1D800] =	vst v63  }
0x26: {  	_ = 	snop  }
0x27: {  	[spmem:s2] =	stream.indirect.scatter.add.f32 [tilespmem:s15], [sflag:$0x4], $0x40, s11, s14, $0xb8;
	[tilespmem:$0x1D800] =	vst v63  }
0x28: {  	_ =	swait.ge [sflag:s20], $0x4000  }
0x29: {  	[sflag:s20] =	ssyncset.done $0x0  }
0x2a: {  	[sflag:s20] =	ssyncadd.s32 $0xFFFFC000  }
0x2b: {  	_ =	swait.ge [sflag:s21], $0x4000  }
0x2c: {  	[sflag:s21] =	ssyncset.done $0x0  }
0x2d: {  	s22 =	simm.s32 $0x300;
	[sflag:s21] =	ssyncadd.s32 $0xFFFFC000  }
0x2e: {  	[tilespmem:s15], [sflag:$0x1] =	stream.indirect.gather [hbm4b:s4+s14], $0x40, s22, s14, $0xb8;
	[tilespmem:$0x1D800] =	vst v63  }
0x2f: {  	_ = 	snop  }
0x30: {  	[spmem:s2] =	stream.indirect.scatter.add.f32 [tilespmem:s16], [sflag:$0x5], $0x40, s23, s14, $0xb8;
	[tilespmem:$0x1D800] =	vst v63  }
0x31: {  	_ =	swait.ge [sflag:s24], $0x4000  }
0x32: {  	[sflag:s24] =	ssyncset.done $0x0  }
0x33: {  	[sflag:s24] =	ssyncadd.s32 $0xFFFFC000  }
0x34: {  	_ =	swait.ge [sflag:s25], $0x4000  }
0x35: {  	[sflag:s25] =	ssyncset.done $0x0  }
0x36: {  	[sflag:s25] =	ssyncadd.s32 $0xFFFFC000  }
0x37: {  	[tilespmem:s16], [sflag:$0x2] =	stream.indirect.gather [hbm4b:s4+s14], $0x40, s26, s14, $0xb8;
	[tilespmem:$0x1D800] =	vst v63  }
0x38: {  	_ = 	snop  }
0x39: {  	[spmem:s2] =	stream.indirect.scatter.add.f32 [tilespmem:s19], [sflag:$0x6], $0x40, s28, s14, $0xb8;
	[tilespmem:$0x1D800] =	vst v63  }
0x3a: {  	_ =	swait.ge [sflag:s17], $0x4000  }
0x3b: {  	[sflag:s17] =	ssyncset.done $0x0  }
0x3c: {  	[sflag:s17] =	ssyncadd.s32 $0xFFFFC000  }
0x3d: {  	_ =	swait.ge [sflag:s29], $0x4000  }
0x3e: {  	[sflag:s29] =	ssyncset.done $0x0  }
0x3f: {  	[sflag:s29] =	ssyncadd.s32 $0xFFFFC000  }
0x40: {  	[tilespmem:s19], [sflag:$0x3] =	stream.indirect.gather [hbm4b:s4+s14], $0x40, s30, s14, $0xb8;
	[tilespmem:$0x1D800] =	vst v63  }
0x41: {  	_ = 	snop  }
0x42: {  	[spmem:s2] =	stream.indirect.scatter.add.f32 [tilespmem:s15], [sflag:$0x4], $0x40, s31, s14, $0xb8;
	[tilespmem:$0x1D800] =	vst v63  }
0x43: {  	_ =	swait.ge [sflag:s20], $0x4000  }
0x44: {  	[sflag:s20] =	ssyncset.done $0x0  }
0x45: {  	[sflag:s20] =	ssyncadd.s32 $0xFFFFC000  }
0x46: {  	_ =	swait.ge [sflag:s21], $0x4000  }
0x47: {  	[sflag:s21] =	ssyncset.done $0x0  }
0x48: {  	s18 =	simm.s32 $0x600;
	[sflag:s21] =	ssyncadd.s32 $0xFFFFC000  }
0x49: {  	[tilespmem:s15], [sflag:$0x1] =	stream.indirect.gather [hbm4b:s4+s14], $0x40, s18, s14, $0xb8;
	[tilespmem:$0x1D800] =	vst v63  }
0x4a: {  	s22 =	simm.s32 $0x4000  }
0x4b: {  	[spmem:s2] =	stream.indirect.scatter.add.f32 [tilespmem:s16], [sflag:$0x5], $0x40, s22, s14, $0xb8;
	[tilespmem:$0x1D800] =	vst v63  }
0x4c: {  	_ =	swait.ge [sflag:s24], $0x4000  }
0x4d: {  	[sflag:s24] =	ssyncset.done $0x0  }
0x4e: {  	[sflag:s24] =	ssyncadd.s32 $0xFFFFC000  }
0x4f: {  	_ =	swait.ge [sflag:s25], $0x4000  }
0x50: {  	[sflag:s25] =	ssyncset.done $0x0  }
0x51: {  	s18 =	simm.s32 $0x700;
	[sflag:s25] =	ssyncadd.s32 $0xFFFFC000  }
0x52: {  	[tilespmem:s16], [sflag:$0x2] =	stream.indirect.gather [hbm4b:s4+s14], $0x40, s18, s14, $0xb8;
	[tilespmem:$0x1D800] =	vst v63  }
0x53: {  	s22 =	simm.s32 $0x4100  }
0x54: {  	[spmem:s2] =	stream.indirect.scatter.add.f32 [tilespmem:s19], [sflag:$0x6], $0x40, s22, s14, $0xb8;
	[tilespmem:$0x1D800] =	vst v63  }
0x55: {  	_ =	swait.ge [sflag:s17], $0x4000  }
0x56: {  	[sflag:s17] =	ssyncset.done $0x0  }
0x57: {  	[sflag:s17] =	ssyncadd.s32 $0xFFFFC000  }
0x58: {  	_ =	swait.ge [sflag:s29], $0x4000  }
0x59: {  	[sflag:s29] =	ssyncset.done $0x0  }
0x5a: {  	s18 =	simm.s32 $0x800;
	[sflag:s29] =	ssyncadd.s32 $0xFFFFC000  }
0x5b: {  	[tilespmem:s19], [sflag:$0x3] =	stream.indirect.gather [hbm4b:s4+s14], $0x40, s18, s14, $0xb8;
	[tilespmem:$0x1D800] =	vst v63  }
0x5c: {  	s22 =	simm.s32 $0x4200  }
0x5d: {  	[spmem:s2] =	stream.indirect.scatter.add.f32 [tilespmem:s15], [sflag:$0x4], $0x40, s22, s14, $0xb8;
	[tilespmem:$0x1D800] =	vst v63  }
0x5e: {  	_ =	swait.ge [sflag:s20], $0x4000  }
0x5f: {  	s1 =	simm.s32 $0xC00;
	[sflag:s20] =	ssyncset.done $0x0  }
.LBB2_2:
0x60: {  	[sflag:s20] =	ssyncadd.s32 $0xFFFFC000;
	s18 =	smov.u32 s1;
	s1 =	sadd.s32 $0xC00, s1  }
0x61: {  	p0 =	sne.s32 s1, $0xD800  }
0x62: {  	_ =	swait.ge [sflag:s21], $0x4000  }
0x63: {  	s18 =	sshra.s32 s18, $0x2;
	[sflag:s21] =	ssyncset.done $0x0  }
0x64: {  	s22 =	sadd.s32 $0x600, s18;
	[sflag:s21] =	ssyncadd.s32 $0xFFFFC000  }
0x65: {  	[tilespmem:s15], [sflag:$0x1] =	stream.indirect.gather [hbm4b:s4+s14], $0x40, s22, s14, $0xb8;
	[tilespmem:$0x1D800] =	vst v63  }
0x66: {  	s22 =	sadd.s32 $0x4000, s18  }
0x67: {  	[spmem:s2] =	stream.indirect.scatter.add.f32 [tilespmem:s16], [sflag:$0x5], $0x40, s22, s14, $0xb8;
	[tilespmem:$0x1D800] =	vst v63  }
0x68: {  	_ =	swait.ge [sflag:s24], $0x4000  }
0x69: {  	[sflag:s24] =	ssyncset.done $0x0  }
0x6a: {  	[sflag:s24] =	ssyncadd.s32 $0xFFFFC000  }
0x6b: {  	_ =	swait.ge [sflag:s25], $0x4000  }
0x6c: {  	[sflag:s25] =	ssyncset.done $0x0  }
0x6d: {  	s22 =	sadd.s32 $0x700, s18;
	[sflag:s25] =	ssyncadd.s32 $0xFFFFC000  }
0x6e: {  	[tilespmem:s16], [sflag:$0x2] =	stream.indirect.gather [hbm4b:s4+s14], $0x40, s22, s14, $0xb8;
	[tilespmem:$0x1D800] =	vst v63  }
0x6f: {  	s22 =	sadd.s32 $0x4100, s18  }
0x70: {  	[spmem:s2] =	stream.indirect.scatter.add.f32 [tilespmem:s19], [sflag:$0x6], $0x40, s22, s14, $0xb8;
	[tilespmem:$0x1D800] =	vst v63  }
0x71: {  	_ =	swait.ge [sflag:s17], $0x4000  }
0x72: {  	[sflag:s17] =	ssyncset.done $0x0  }
0x73: {  	[sflag:s17] =	ssyncadd.s32 $0xFFFFC000  }
0x74: {  	_ =	swait.ge [sflag:s29], $0x4000  }
0x75: {  	[sflag:s29] =	ssyncset.done $0x0  }
0x76: {  	s22 =	sadd.s32 $0x800, s18;
	[sflag:s29] =	ssyncadd.s32 $0xFFFFC000  }
0x77: {  	[tilespmem:s19], [sflag:$0x3] =	stream.indirect.gather [hbm4b:s4+s14], $0x40, s22, s14, $0xb8;
	[tilespmem:$0x1D800] =	vst v63  }
.Ltmp0:
0x78: {  	_ = 	snop;
	(pc) =	sbr.rel @p0 .LBB2_2-.Ltmp0, $4  }
0x79: {  	s18 =	sadd.s32 $0x4200, s18  }
0x7a: {  	[spmem:s2] =	stream.indirect.scatter.add.f32 [tilespmem:s15], [sflag:$0x4], $0x40, s18, s14, $0xb8;
	[tilespmem:$0x1D800] =	vst v63  }
0x7b: {  	_ =	swait.ge [sflag:s20], $0x4000  }
0x7c: {  	[sflag:s20] =	ssyncset.done $0x0  }
0x7d: {  	s1 =	sshra.s32 s1, $0x2  }
0x7e: {  	[sflag:s20] =	ssyncadd.s32 $0xFFFFC000;
	s18 =	sadd.s32 $0x4000, s1  }
0x7f: {  	[spmem:s2] =	stream.indirect.scatter.add.f32 [tilespmem:s16], [sflag:$0x5], $0x40, s18, s14, $0xb8;
	[tilespmem:$0x1D800] =	vst v63  }
0x80: {  	_ =	swait.ge [sflag:s24], $0x4000  }
0x81: {  	[sflag:s24] =	ssyncset.done $0x0  }
0x82: {  	s1 =	sadd.s32 $0x4100, s1;
	[sflag:s24] =	ssyncadd.s32 $0xFFFFC000  }
0x83: {  	[spmem:s2] =	stream.indirect.scatter.add.f32 [tilespmem:s19], [sflag:$0x6], $0x40, s1, s14, $0xb8;
	[tilespmem:$0x1D800] =	vst v63  }
0x84: {  	_ =	swait.ge [sflag:s21], $0x4000  }
0x85: {  	[sflag:s21] =	ssyncset.done $0x0  }
0x86: {  	[sflag:s21] =	ssyncadd.s32 $0xFFFFC000  }
0x87: {  	_ =	swait.ge [sflag:s25], $0x4000  }
0x88: {  	[sflag:s25] =	ssyncset.done $0x0  }
0x89: {  	[sflag:s25] =	ssyncadd.s32 $0xFFFFC000  }
0x8a: {  	_ =	swait.ge [sflag:s29], $0x4000  }
0x8b: {  	s0 =	sadd.s32 $0x1, s0;
	[sflag:s29] =	ssyncset.done $0x0  }
0x8c: {  	p0 =	sne.s32 s0, s9;
	[sflag:s29] =	ssyncadd.s32 $0xFFFFC000  }
.Ltmp1:
0x8d: {  	[bflag:$0x0] =	sbarrier.arrive $0xFFFF;
	(pc) =	sbr.rel @p0 .LBB2_1-.Ltmp1, $4  }
0x8e: {  	[hbm:s8], [sflag:s12] =	dma.local [spmem:s13], $0x1400  }
0x8f: {  	_ =	swait.ge [sflag:s10], $0x1400  }
0x90: {  	[sflag:s10] =	ssyncset.done $0x0  }
0x91: {  	[sflag:s10] =	ssyncadd.s32 $0xFFFFEC00  }
0x92: {  	_ =	sfence.sel $0x180000  }
0x93: {  	[bflag:$0x0] =	sbarrier.arrive $0xFFFF  }
0x94: {  	_ =	strace $0x9000004A  }
0x95: {  	s0 =	stileid.u32;
	[bflag:$0x2] =	sbarrier.arrive $0xFFFF  }
0x96: {  	p0 =	sne.s32 s0, $0x0;
	s0 =	rddreg [dreg:$0x3]  }
0x97: {  	s0 =	sadd.s32 @!p0 $0x100000, s0  }
0x98: {  	[sflag:s0] =	ssyncadd.tile.s32 @!p0 $0x1;
	_ =	shalt  }
.Lfunc_end2:
_tile_overlayer_lowered:
.L_overlay_start_2:
0x99: {  	(tag) =	ssettag $0x2  }
0x9a: {  	s0 =	rddreg [dreg:$0x0];
	s2 =	stileid.u32  }
0x9b: {  	s1 =	rddreg [dreg:$0x1];
	p0 =	sne.s32 s2, $0x0  }
0x9c: {  	s3 =	rddreg [dreg:$0x2];
	[bflag:$0x3] =	sbarrier.arrive $0xFFFF;
	s2 =	simm.s32 @!p0 $0x1C07  }
0x9d: {  	[timem:s3], [sflag:s2] =	dma.local @!p0 [hbm:s0], s1  }
0x9e: {  	s0 =	simm.s32 @!p0 $0x7  }
0x9f: {  	_ =	swait.ge @!p0 [sflag:s0], s1  }
0xa0: {  	s1 =	ssub.s32 @!p0 $0x0, s1;
	[sflag:s0] =	ssyncset.done @!p0 $0x0  }
0xa1: {  	[sflag:s0] =	ssyncadd.s32 @!p0 s1  }
0xa2: {  	[bflag:$0x3] =	sbarrier.arrive $0xFFFF  }
0xa3: {  	_ =	shalt  }

// kernel: kernel.16.cloned.1.call-start
scs
__scs_entry_jumppad:
0x0: {  	(pc) =	sbr.rel $0x88, $3  }
0x1: {  	(tag) =	ssettag $0x0;
	lr =	simm.s32 $0x1  }
0x2: {  	[smem:$0x3F99] =	sst lr;
	_ =	strace $0xD0000000  }
0x3: {  	_ = 	snop  }
0x4: {  	_ = 	snop  }
0x5: {  	_ = 	snop  }
0x6: {  	_ = 	snop  }
0x7: {  	_ = 	snop  }
__scs_overlays_trampoline_lowered:
0x8: {  	[smem:$0x3FA8] =	sst s0  }
0x9: {  	[smem:$0x3FA9] =	sst s1  }
0xa: {  	[smem:$0x3FAA] =	sst s2  }
0xb: {  	[smem:$0x3FAB] =	sst s3  }
0xc: {  	[smem:$0x3FAC] =	sst s4  }
0xd: {  	[smem:$0x3FAD] =	sst s5  }
0xe: {  	[smem:$0x3FAE] =	sst s6  }
0xf: {  	[smem:$0x3FAF] =	sst s7  }
0x10: {  	[smem:$0x3FB0] =	sst s8  }
0x11: {  	[smem:$0x3FB1] =	sst s9;
	s0 =	simm.s32 @!p0 $0x0  }
0x12: {  	s1 =	sld [smem:$0x3F97];
	s0 =	simm.s32 @p0 $0x1  }
0x13: {  	[smem:$0x3FB2] =	sst s0;
	s0 =	simm.s32 @!p1 $0x0  }
0x14: {  	s2 =	sld [smem:$0x3F96];
	s0 =	simm.s32 @p1 $0x1  }
0x15: {  	[smem:$0x3FB3] =	sst s0;
	s0 =	simm.s32 @!p2 $0x0  }
0x16: {  	s3 =	sld [smem:$0x3FDB];
	s0 =	simm.s32 @p2 $0x1  }
0x17: {  	s4 =	simm.s32 $0x1BF5;
	[smem:$0x3FB5] =	sst s0  }
0x18: {  	s0 =	sld [smem:$0x3F98];
	_ =	swait.ge [sflag:s4], $0x0  }
0x19: {  	s7 =	sld [smem:$0x3F99]  }
0x1a: {  	s8 =	sadd.s32 $0xFFFFE003, lr  }
0x1b: {  	s9 =	sadd.s32 $0xFFFFFEF7, lr;
	s5 =	simm.s32 $0xFFFFFFFF;
	p2 =	slt.u32 s8, $0xFFFFF086  }
0x1c: {  	p1 =	slt.u32 s9, $0xF7A;
	s5 =	simm.s32 @!p2 $0x0  }
0x1d: {  	s5 =	simm.s32 @p1 $0x1;
	p0 =	seq.s32 s7, s2  }
0x1e: {  	s7 =	smul.u32 @!p0 $0xF7A, s2;
	p2 =	seq.s32 @!p0 s5, $0x0  }
0x1f: {  	s9 =	smul.u32 $0xF7A, s1;
	s8 =	simm.s32 @!p0 $0x1BF5;
	p2 =	por !p2, p0  }
0x20: {  	[sflag:s8] =	ssyncset.s32 @!p0 $0xFFFFF086;
	s6 =	sadd.s32 @!p0 s3, s7;
	s7 =	simm.s32 @!p0 $0x108  }
0x21: {  	s3 =	sadd.s32 s3, s9;
	s6 =	sadd.s32 @!p0 $0x88, s6;
	s7 =	simm.s32 @p2 $0x1082  }
0x22: {  	[simem:s7], [sflag:s8] =	dma.local @!p0 [hbm:s6], $0xF7A  }
0x23: {  	s9 =	sor.u32 $0xD0000000, s2;
	s6 =	simm.s32 $0x108;
	_ =	swait.ge @!p0 [sflag:s8], $0x0  }
0x24: {  	s3 =	sadd.s32 $0x88, s3;
	s6 =	simm.s32 @!p1 $0x1082;
	[sflag:s4] =	ssyncset.s32 $0xFFFFF086  }
0x25: {  	[simem:s6], [sflag:s4] =	dma.local [hbm:s3], $0xF7A  }
0x26: {  	[smem:$0x3F99] =	sst s1;
	(tag) =	ssettag s2;
	_ =	strace s9  }
0x27: {  	s1 =	sld [smem:$0x3FA9]  }
0x28: {  	s2 =	sld [smem:$0x3FAA]  }
0x29: {  	s4 =	sld [smem:$0x3FAC]  }
0x2a: {  	p0 =	seq.s32 s5, $0x0;
	s5 =	sld [smem:$0x3FAD]  }
0x2b: {  	s6 =	sld [smem:$0x3FAE]  }
0x2c: {  	s7 =	sld [smem:$0x3FAF]  }
0x2d: {  	s3 =	simm.s32 $0x108;
	s8 =	sld [smem:$0x3FB0]  }
0x2e: {  	s3 =	simm.s32 @!p0 $0x1082;
	s9 =	sld [smem:$0x3FB1]  }
0x2f: {  	lr =	sadd.s32 s0, s3;
	s0 =	sld [smem:$0x3FA8]  }
0x30: {  	s3 =	sld [smem:$0x3FAB]  }
0x31: {  	[smem:$0x3FB4] =	sst s10  }
0x32: {  	s10 =	sld [smem:$0x3FB2];
	_ =	sdelay $0x3  }
0x33: {  	p0 =	seq.s32 s10, $0x1;
	s10 =	sld [smem:$0x3FB4];
	_ =	sdelay $0x3  }
0x34: {  	[smem:$0x3FB4] =	sst s10  }
0x35: {  	s10 =	sld [smem:$0x3FB3];
	_ =	sdelay $0x3  }
0x36: {  	p1 =	seq.s32 s10, $0x1;
	s10 =	sld [smem:$0x3FB4];
	_ =	sdelay $0x3  }
0x37: {  	[smem:$0x3FB4] =	sst s10  }
0x38: {  	s10 =	sld [smem:$0x3FB5]  }
0x39: {  	_ = 	snop;
	(pc) =	sbr.ind lr, $3  }
0x3a: {  	_ = 	snop  }
0x3b: {  	_ = 	snop  }
0x3c: {  	p2 =	seq.s32 s10, $0x1;
	s10 =	sld [smem:$0x3FB4]  }
0x3d: {  	_ =	shalt  }
0x3e: {  	_ =	shalt  }
0x3f: {  	_ =	shalt  }
0x40: {  	_ =	shalt  }
0x41: {  	_ =	shalt  }
0x42: {  	_ =	shalt  }
0x43: {  	_ =	shalt  }
0x44: {  	_ =	shalt  }
0x45: {  	_ =	shalt  }
0x46: {  	_ =	shalt  }
0x47: {  	_ =	shalt  }
0x48: {  	_ =	shalt  }
0x49: {  	_ =	shalt  }
0x4a: {  	_ =	shalt  }
0x4b: {  	_ =	shalt  }
0x4c: {  	_ =	shalt  }
0x4d: {  	_ =	shalt  }
0x4e: {  	_ =	shalt  }
0x4f: {  	_ =	shalt  }
0x50: {  	_ =	shalt  }
0x51: {  	_ =	shalt  }
0x52: {  	_ =	shalt  }
0x53: {  	_ =	shalt  }
0x54: {  	_ =	shalt  }
0x55: {  	_ =	shalt  }
0x56: {  	_ =	shalt  }
0x57: {  	_ =	shalt  }
0x58: {  	_ =	shalt  }
0x59: {  	_ =	shalt  }
0x5a: {  	_ =	shalt  }
0x5b: {  	_ =	shalt  }
0x5c: {  	_ =	shalt  }
0x5d: {  	_ =	shalt  }
0x5e: {  	_ =	shalt  }
0x5f: {  	_ =	shalt  }
0x60: {  	_ =	shalt  }
0x61: {  	_ =	shalt  }
0x62: {  	_ =	shalt  }
0x63: {  	_ =	shalt  }
0x64: {  	_ =	shalt  }
0x65: {  	_ =	shalt  }
0x66: {  	_ =	shalt  }
0x67: {  	_ =	shalt  }
0x68: {  	_ =	shalt  }
0x69: {  	_ =	shalt  }
0x6a: {  	_ =	shalt  }
0x6b: {  	_ =	shalt  }
0x6c: {  	_ =	shalt  }
0x6d: {  	_ =	shalt  }
0x6e: {  	_ =	shalt  }
0x6f: {  	_ =	shalt  }
0x70: {  	_ =	shalt  }
0x71: {  	_ =	shalt  }
0x72: {  	_ =	shalt  }
0x73: {  	_ =	shalt  }
0x74: {  	_ =	shalt  }
0x75: {  	_ =	shalt  }
0x76: {  	_ =	shalt  }
0x77: {  	_ =	shalt  }
0x78: {  	_ =	shalt  }
0x79: {  	_ =	shalt  }
0x7a: {  	_ =	shalt  }
0x7b: {  	_ =	shalt  }
0x7c: {  	_ =	shalt  }
0x7d: {  	_ =	shalt  }
0x7e: {  	_ =	shalt  }
0x7f: {  	_ =	shalt  }
0x80: {  	_ =	shalt  }
0x81: {  	_ =	shalt  }
0x82: {  	_ =	shalt  }
0x83: {  	_ =	shalt  }
0x84: {  	_ =	shalt  }
0x85: {  	_ =	shalt  }
0x86: {  	_ =	shalt  }
0x87: {  	_ =	shalt  }
.Lfunc_end0:
.L_simem_size_0:
called_computation.2_lowered:
.L_overlay_start_0:
0x88: {  	s2 =	sld [smem:$0x3FD9]  }
0x89: {  	s3 =	sld [smem:$0x3FFE];
	_ =	sdelay $0x1  }
0x8a: {  	s1 =	srdreg.scid  }
0x8b: {  	s0 =	sand.u32 $0x1, s1  }
0x8c: {  	s17 =	sshll.u32 s0, $0xA;
	s2 =	sadd.s32 s3, s2  }
0x8d: {  	s2 =	sadd.s32 s2, s17  }
0x8e: {  	[smem:$0x3FC0] =	sst s2  }
0x8f: {  	_ = 	snop  }
0x90: {  	s2 =	sld [smem:$0x3FD0];
	(tm) =	ssettm $0x1  }
0x91: {  	s18 =	sld [smem:$0x3FFB];
	_ =	sdelay $0x3  }
0x92: {  	_ =	strace s18  }
0x93: {  	s3 =	sld [smem:$0x3FFC];
	_ =	sdelay $0x3  }
0x94: {  	_ =	strace s3  }
0x95: {  	s3 =	sld [smem:$0x3FFD];
	_ =	sdelay $0x3  }
0x96: {  	_ =	strace s3  }
0x97: {  	_ =	strace $0x8FFFFFFF  }
0x98: {  	s19 =	sld [smem:$0x3FDB];
	_ =	sdelay $0x1  }
0x99: {  	s4 =	simm.s32 $_scs_section_size  }
0x9a: {  	s5 =	simm.s32 $_size__tile_overlayer_lowered;
	s6 =	simm.s32 $_tile_overlayer_lowered  }
0x9b: {  	s22 =	simm.s32 $0x1BFF;
	s21 =	sshll.u32 s6, $0x1;
	s3 =	sadd.s32 s4, s19  }
0x9c: {  	s7 =	simm.s32 $0x0;
	s20 =	sshll.u32 s5, $0x1;
	s5 =	sadd.s32 s21, s3  }
0x9d: {  	[timem:s7], [sflag:s22] =	dma.local [hbm:s5], s20  }
0x9e: {  	_ =	swait.ge [sflag:s22], s20  }
0x9f: {  	s4 =	ssub.s32 $0x0, s20;
	[sflag:s22] =	ssyncset.done $0x0  }
0xa0: {  	[sflag:s22] =	ssyncadd.s32 s4;
	_ =	sdelay $0x1  }
0xa1: {  	s23 =	simm.s32 $0x1B8B  }
0xa2: {  	_ =	swait.ge [sflag:s23], $0x1  }
0xa3: {  	[sflag:s23] =	ssyncset.done $0x0  }
0xa4: {  	s25 =	simm.s32 $0x1B8E;
	s24 =	sld [smem:$0x3FFE];
	[sflag:s23] =	ssyncadd.s32 $0xFFFFFFFF  }
0xa5: {  	s26 =	simm.s32 $execute0_lowered;
	[smem:$0x3FD2] =	sst s25  }
0xa6: {  	s5 =	sshll.u32 s26, $0x1;
	_ =	strace $0x8000004C;
	[dreg:$0x1] =	wrdreg $0xFFFFFFFF  }
0xa7: {  	s28 =	simm.s32 $_size_execute0_lowered;
	s3 =	sadd.s32 s3, s5;
	[dreg:$0x0] =	wrdreg $0x0  }
0xa8: {  	s5 =	sshll.u32 s28, $0x1;
	[dreg:$0x2] =	wrdreg s3  }
0xa9: {  	[dreg:$0x3] =	wrdreg s5  }
0xaa: {  	[dreg:$0x4] =	wrdreg $0xC0  }
0xab: {  	_ =	task [dreg:s7], $0x5FFFF  }
0xac: {  	[dreg:$0x1] =	wrdreg $0xFFFFFFFF  }
0xad: {  	[dreg:$0x0] =	wrdreg $0x60  }
0xae: {  	[dreg:$0x2] =	wrdreg s24  }
0xaf: {  	[dreg:$0x3] =	wrdreg s2  }
0xb0: {  	[dreg:$0x4] =	wrdreg $0x138000  }
0xb1: {  	[dreg:$0x5] =	wrdreg $0x9  }
0xb2: {  	_ =	task.clear_ibuf [dreg:s7], $0x6FFFF;
	_ =	strace $0x9000004C  }
0xb3: {  	s29 =	simm.s32 $0x9;
	_ =	strace $0x8000004E  }
0xb4: {  	_ =	swait.ge [sflag:s29], $0x1  }
0xb5: {  	[sflag:s29] =	ssyncadd.s32 $0xFFFFFFFF  }
0xb6: {  	_ =	strace $0x9000004E  }
0xb7: {  	_ =	sfence  }
0xb8: {  	s30 =	sld [smem:$0x0];
	_ =	sdelay $0x2  }
0xb9: {  	s31 =	sshll.u32 s1, $0xD;
	s1 =	sshrl.u32 s1, $0x2  }
0xba: {  	s3 =	sand.u32 $0x4000, s31;
	s1 =	sadd.s32 s1, s30  }
0xbb: {  	s0 =	sor.u32 s3, s0;
	s1 =	sshll.u32 s1, $0x11  }
0xbc: {  	s0 =	sor.u32 s1, s0  }
0xbd: {  	s0 =	sadd.s32 $0x8F2B, s0  }
0xbe: {  	[sflag:s0] =	ssyncadd.remote.s32 $0x1  }
0xbf: {  	_ =	sfence.sel $0xFFFF  }
0xc0: {  	[dreg:$0x0] =	wrdreg $0xFFFFFFFF;
	(pc) =	sbr.abs _section_cstart, $3  }
0xc1: {  	[dreg:$0x1] =	wrdreg $0xFFFFFFFF  }
0xc2: {  	_ =	task.clear_ibuf [dreg:s7], $0x2FFFF;
	_ =	strace $0x9FFFFFFF  }
0xc3: {  	(tm) =	ssettm $0x7FFFFFFF  }
tec
execute0_lowered:
.L_overlay_start_1:
0x0: {  	(tag) =	ssettag $0x1  }
0x1: {  	s0 =	rddreg [dreg:$0x0]  }
0x2: {  	s1 =	srdreg.scid;
	s7 =	rddreg [dreg:$0x1]  }
0x3: {  	s2 =	rddreg [dreg:$0x2];
	s11 =	stileid.u32;
	s3 =	simm.s32 $0x0  }
0x4: {  	s14 =	simm.s32 $0x100;
	s15 =	simm.s32 $0x7800;
	s16 =	simm.s32 $0xB800  }
0x5: {  	s17 =	simm.s32 $0x1;
	s19 =	simm.s32 $0xF800;
	s20 =	simm.s32 $0x2  }
0x6: {  	s21 =	simm.s32 $0x4;
	s23 =	simm.s32 $0x3D00;
	s28 =	simm.s32 $0x3E00  }
0x7: {  	s29 =	simm.s32 $0x6;
	s30 =	simm.s32 $0x500;
	s31 =	simm.s32 $0x3F00  }
0x8: {  	s1 =	sand.u32 $0x1, s1;
	[smem:$0x7FF] =	sst s3;
	s10 =	smul.u32 $0x28000, s11  }
0x9: {  	s26 =	sshll.u32 s11, $0x6;
	s4 =	sshll.u32 s1, $0x4;
	_ =	strace $0x8000004D  }
0xa: {  	s1 =	ssub.s32 $0x2, s1;
	s12 =	sor.u32 $0x1C07, s26;
	s26 =	simm.s32 $0x400  }
0xb: {  	s5 =	sor.u32 s11, s4;
	s4 =	sadd.s32 $0x8C000, s0;
	s24 =	sshrl.u32 s1, $0x1  }
0xc: {  	s25 =	sshrl.u32 s10, $0x2;
	s10 =	simm.s32 $0x7;
	s8 =	smul.u32 $0x780, s5  }
0xd: {  	s11 =	simm.s32 $0x3C00;
	s6 =	smul.u32 $0x1400, s5;
	s5 =	sadd.s32 $0x2600, s0  }
0xe: {  	s1 =	ssub.s32 s1, s24;
	s13 =	sadd.s32 s25, s2;
	s24 =	simm.s32 $0x3  }
0xf: {  	s25 =	simm.s32 $0x5;
	s13 =	sshrl.u32 s13, $0x3;
	s9 =	sadd.s32 s8, s0  }
0x10: {  	s0 =	sadd.s32 s6, s0;
	s7 =	sadd.s32 s7, s8;
	s6 =	sadd.s32 $0x7C00, s9  }
0x11: {  	s8 =	sadd.s32 $0xB3200, s0;
	s9 =	smax.u32 s1, $0x1;
	s0 =	simm.s32 $0x0  }
.LBB2_1:
0x12: {  	[tilespmem:s3], [sflag:$0x7] =	stream.linear.gather [hbm4b:s6+s3], $0x3C00, $0x38;
	[tilespmem:$0x1D800] =	vst v63  }
0x13: {  	_ =	swait.ge [sflag:s10], $0x3C00  }
0x14: {  	[sflag:s10] =	ssyncset.done $0x0  }
0x15: {  	[sflag:s10] =	ssyncadd.s32 $0xFFFFC400  }
0x16: {  	[tilespmem:s11], [sflag:$0x7] =	stream.linear.gather [hbm4b:s7+s3], $0x3C00, $0x38;
	[tilespmem:$0x1D800] =	vst v63  }
0x17: {  	_ =	swait.ge [sflag:s10], $0x3C00  }
0x18: {  	[sflag:s10] =	ssyncset.done $0x0  }
0x19: {  	[sflag:s10] =	ssyncadd.s32 $0xFFFFC400  }
0x1a: {  	[spmem:s13], [sflag:s12] =	dma.local [hbm:s5], $0x1400  }
0x1b: {  	_ =	swait.ge [sflag:s10], $0x1400  }
0x1c: {  	[sflag:s10] =	ssyncset.done $0x0  }
0x1d: {  	[sflag:s10] =	ssyncadd.s32 $0xFFFFEC00  }
0x1e: {  	[bflag:$0x0] =	sbarrier.arrive $0xFFFF  }
0x1f: {  	[tilespmem:s15], [sflag:$0x1] =	stream.indirect.gather [hbm4b:s4+s14], $0x40, s3, s14, $0xb8;
	[tilespmem:$0x1D800] =	vst v63  }
0x20: {  	_ = 	snop  }
0x21: {  	[tilespmem:s16], [sflag:$0x2] =	stream.indirect.gather [hbm4b:s4+s14], $0x40, s14, s14, $0xb8;
	[tilespmem:$0x1D800] =	vst v63  }
0x22: {  	_ =	swait.ge [sflag:s17], $0x4000  }
0x23: {  	[sflag:s17] =	ssyncset.done $0x0  }
0x24: {  	s1 =	simm.s32 $0x200;
	[sflag:s17] =	ssyncadd.s32 $0xFFFFC000  }
0x25: {  	[tilespmem:s19], [sflag:$0x3] =	stream.indirect.gather [hbm4b:s4+s14], $0x40, s1, s14, $0xb8;
	[tilespmem:$0x1D800] =	vst v63  }
0x26: {  	_ = 	snop  }
0x27: {  	[spmem:s2] =	stream.indirect.scatter.add.f32 [tilespmem:s15], [sflag:$0x4], $0x40, s11, s14, $0xb8;
	[tilespmem:$0x1D800] =	vst v63  }
0x28: {  	_ =	swait.ge [sflag:s20], $0x4000  }
0x29: {  	[sflag:s20] =	ssyncset.done $0x0  }
0x2a: {  	[sflag:s20] =	ssyncadd.s32 $0xFFFFC000  }
0x2b: {  	_ =	swait.ge [sflag:s21], $0x4000  }
0x2c: {  	[sflag:s21] =	ssyncset.done $0x0  }
0x2d: {  	s22 =	simm.s32 $0x300;
	[sflag:s21] =	ssyncadd.s32 $0xFFFFC000  }
0x2e: {  	[tilespmem:s15], [sflag:$0x1] =	stream.indirect.gather [hbm4b:s4+s14], $0x40, s22, s14, $0xb8;
	[tilespmem:$0x1D800] =	vst v63  }
0x2f: {  	_ = 	snop  }
0x30: {  	[spmem:s2] =	stream.indirect.scatter.add.f32 [tilespmem:s16], [sflag:$0x5], $0x40, s23, s14, $0xb8;
	[tilespmem:$0x1D800] =	vst v63  }
0x31: {  	_ =	swait.ge [sflag:s24], $0x4000  }
0x32: {  	[sflag:s24] =	ssyncset.done $0x0  }
0x33: {  	[sflag:s24] =	ssyncadd.s32 $0xFFFFC000  }
0x34: {  	_ =	swait.ge [sflag:s25], $0x4000  }
0x35: {  	[sflag:s25] =	ssyncset.done $0x0  }
0x36: {  	[sflag:s25] =	ssyncadd.s32 $0xFFFFC000  }
0x37: {  	[tilespmem:s16], [sflag:$0x2] =	stream.indirect.gather [hbm4b:s4+s14], $0x40, s26, s14, $0xb8;
	[tilespmem:$0x1D800] =	vst v63  }
0x38: {  	_ = 	snop  }
0x39: {  	[spmem:s2] =	stream.indirect.scatter.add.f32 [tilespmem:s19], [sflag:$0x6], $0x40, s28, s14, $0xb8;
	[tilespmem:$0x1D800] =	vst v63  }
0x3a: {  	_ =	swait.ge [sflag:s17], $0x4000  }
0x3b: {  	[sflag:s17] =	ssyncset.done $0x0  }
0x3c: {  	[sflag:s17] =	ssyncadd.s32 $0xFFFFC000  }
0x3d: {  	_ =	swait.ge [sflag:s29], $0x4000  }
0x3e: {  	[sflag:s29] =	ssyncset.done $0x0  }
0x3f: {  	[sflag:s29] =	ssyncadd.s32 $0xFFFFC000  }
0x40: {  	[tilespmem:s19], [sflag:$0x3] =	stream.indirect.gather [hbm4b:s4+s14], $0x40, s30, s14, $0xb8;
	[tilespmem:$0x1D800] =	vst v63  }
0x41: {  	_ = 	snop  }
0x42: {  	[spmem:s2] =	stream.indirect.scatter.add.f32 [tilespmem:s15], [sflag:$0x4], $0x40, s31, s14, $0xb8;
	[tilespmem:$0x1D800] =	vst v63  }
0x43: {  	_ =	swait.ge [sflag:s20], $0x4000  }
0x44: {  	[sflag:s20] =	ssyncset.done $0x0  }
0x45: {  	[sflag:s20] =	ssyncadd.s32 $0xFFFFC000  }
0x46: {  	_ =	swait.ge [sflag:s21], $0x4000  }
0x47: {  	[sflag:s21] =	ssyncset.done $0x0  }
0x48: {  	s18 =	simm.s32 $0x600;
	[sflag:s21] =	ssyncadd.s32 $0xFFFFC000  }
0x49: {  	[tilespmem:s15], [sflag:$0x1] =	stream.indirect.gather [hbm4b:s4+s14], $0x40, s18, s14, $0xb8;
	[tilespmem:$0x1D800] =	vst v63  }
0x4a: {  	s22 =	simm.s32 $0x4000  }
0x4b: {  	[spmem:s2] =	stream.indirect.scatter.add.f32 [tilespmem:s16], [sflag:$0x5], $0x40, s22, s14, $0xb8;
	[tilespmem:$0x1D800] =	vst v63  }
0x4c: {  	_ =	swait.ge [sflag:s24], $0x4000  }
0x4d: {  	[sflag:s24] =	ssyncset.done $0x0  }
0x4e: {  	[sflag:s24] =	ssyncadd.s32 $0xFFFFC000  }
0x4f: {  	_ =	swait.ge [sflag:s25], $0x4000  }
0x50: {  	[sflag:s25] =	ssyncset.done $0x0  }
0x51: {  	s18 =	simm.s32 $0x700;
	[sflag:s25] =	ssyncadd.s32 $0xFFFFC000  }
0x52: {  	[tilespmem:s16], [sflag:$0x2] =	stream.indirect.gather [hbm4b:s4+s14], $0x40, s18, s14, $0xb8;
	[tilespmem:$0x1D800] =	vst v63  }
0x53: {  	s22 =	simm.s32 $0x4100  }
0x54: {  	[spmem:s2] =	stream.indirect.scatter.add.f32 [tilespmem:s19], [sflag:$0x6], $0x40, s22, s14, $0xb8;
	[tilespmem:$0x1D800] =	vst v63  }
0x55: {  	_ =	swait.ge [sflag:s17], $0x4000  }
0x56: {  	[sflag:s17] =	ssyncset.done $0x0  }
0x57: {  	[sflag:s17] =	ssyncadd.s32 $0xFFFFC000  }
0x58: {  	_ =	swait.ge [sflag:s29], $0x4000  }
0x59: {  	[sflag:s29] =	ssyncset.done $0x0  }
0x5a: {  	s18 =	simm.s32 $0x800;
	[sflag:s29] =	ssyncadd.s32 $0xFFFFC000  }
0x5b: {  	[tilespmem:s19], [sflag:$0x3] =	stream.indirect.gather [hbm4b:s4+s14], $0x40, s18, s14, $0xb8;
	[tilespmem:$0x1D800] =	vst v63  }
0x5c: {  	s22 =	simm.s32 $0x4200  }
0x5d: {  	[spmem:s2] =	stream.indirect.scatter.add.f32 [tilespmem:s15], [sflag:$0x4], $0x40, s22, s14, $0xb8;
	[tilespmem:$0x1D800] =	vst v63  }
0x5e: {  	_ =	swait.ge [sflag:s20], $0x4000  }
0x5f: {  	s1 =	simm.s32 $0xC00;
	[sflag:s20] =	ssyncset.done $0x0  }
.LBB2_2:
0x60: {  	[sflag:s20] =	ssyncadd.s32 $0xFFFFC000;
	s18 =	smov.u32 s1;
	s1 =	sadd.s32 $0xC00, s1  }
0x61: {  	p0 =	sne.s32 s1, $0xD800  }
0x62: {  	_ =	swait.ge [sflag:s21], $0x4000  }
0x63: {  	s18 =	sshra.s32 s18, $0x2;
	[sflag:s21] =	ssyncset.done $0x0  }
0x64: {  	s22 =	sadd.s32 $0x600, s18;
	[sflag:s21] =	ssyncadd.s32 $0xFFFFC000  }
0x65: {  	[tilespmem:s15], [sflag:$0x1] =	stream.indirect.gather [hbm4b:s4+s14], $0x40, s22, s14, $0xb8;
	[tilespmem:$0x1D800] =	vst v63  }
0x66: {  	s22 =	sadd.s32 $0x4000, s18  }
0x67: {  	[spmem:s2] =	stream.indirect.scatter.add.f32 [tilespmem:s16], [sflag:$0x5], $0x40, s22, s14, $0xb8;
	[tilespmem:$0x1D800] =	vst v63  }
0x68: {  	_ =	swait.ge [sflag:s24], $0x4000  }
0x69: {  	[sflag:s24] =	ssyncset.done $0x0  }
0x6a: {  	[sflag:s24] =	ssyncadd.s32 $0xFFFFC000  }
0x6b: {  	_ =	swait.ge [sflag:s25], $0x4000  }
0x6c: {  	[sflag:s25] =	ssyncset.done $0x0  }
0x6d: {  	s22 =	sadd.s32 $0x700, s18;
	[sflag:s25] =	ssyncadd.s32 $0xFFFFC000  }
0x6e: {  	[tilespmem:s16], [sflag:$0x2] =	stream.indirect.gather [hbm4b:s4+s14], $0x40, s22, s14, $0xb8;
	[tilespmem:$0x1D800] =	vst v63  }
0x6f: {  	s22 =	sadd.s32 $0x4100, s18  }
0x70: {  	[spmem:s2] =	stream.indirect.scatter.add.f32 [tilespmem:s19], [sflag:$0x6], $0x40, s22, s14, $0xb8;
	[tilespmem:$0x1D800] =	vst v63  }
0x71: {  	_ =	swait.ge [sflag:s17], $0x4000  }
0x72: {  	[sflag:s17] =	ssyncset.done $0x0  }
0x73: {  	[sflag:s17] =	ssyncadd.s32 $0xFFFFC000  }
0x74: {  	_ =	swait.ge [sflag:s29], $0x4000  }
0x75: {  	[sflag:s29] =	ssyncset.done $0x0  }
0x76: {  	s22 =	sadd.s32 $0x800, s18;
	[sflag:s29] =	ssyncadd.s32 $0xFFFFC000  }
0x77: {  	[tilespmem:s19], [sflag:$0x3] =	stream.indirect.gather [hbm4b:s4+s14], $0x40, s22, s14, $0xb8;
	[tilespmem:$0x1D800] =	vst v63  }
.Ltmp0:
0x78: {  	_ = 	snop;
	(pc) =	sbr.rel @p0 .LBB2_2-.Ltmp0, $4  }
0x79: {  	s18 =	sadd.s32 $0x4200, s18  }
0x7a: {  	[spmem:s2] =	stream.indirect.scatter.add.f32 [tilespmem:s15], [sflag:$0x4], $0x40, s18, s14, $0xb8;
	[tilespmem:$0x1D800] =	vst v63  }
0x7b: {  	_ =	swait.ge [sflag:s20], $0x4000  }
0x7c: {  	[sflag:s20] =	ssyncset.done $0x0  }
0x7d: {  	s1 =	sshra.s32 s1, $0x2  }
0x7e: {  	[sflag:s20] =	ssyncadd.s32 $0xFFFFC000;
	s18 =	sadd.s32 $0x4000, s1  }
0x7f: {  	[spmem:s2] =	stream.indirect.scatter.add.f32 [tilespmem:s16], [sflag:$0x5], $0x40, s18, s14, $0xb8;
	[tilespmem:$0x1D800] =	vst v63  }
0x80: {  	_ =	swait.ge [sflag:s24], $0x4000  }
0x81: {  	[sflag:s24] =	ssyncset.done $0x0  }
0x82: {  	s1 =	sadd.s32 $0x4100, s1;
	[sflag:s24] =	ssyncadd.s32 $0xFFFFC000  }
0x83: {  	[spmem:s2] =	stream.indirect.scatter.add.f32 [tilespmem:s19], [sflag:$0x6], $0x40, s1, s14, $0xb8;
	[tilespmem:$0x1D800] =	vst v63  }
0x84: {  	_ =	swait.ge [sflag:s21], $0x4000  }
0x85: {  	[sflag:s21] =	ssyncset.done $0x0  }
0x86: {  	[sflag:s21] =	ssyncadd.s32 $0xFFFFC000  }
0x87: {  	_ =	swait.ge [sflag:s25], $0x4000  }
0x88: {  	[sflag:s25] =	ssyncset.done $0x0  }
0x89: {  	[sflag:s25] =	ssyncadd.s32 $0xFFFFC000  }
0x8a: {  	_ =	swait.ge [sflag:s29], $0x4000  }
0x8b: {  	s0 =	sadd.s32 $0x1, s0;
	[sflag:s29] =	ssyncset.done $0x0  }
0x8c: {  	p0 =	sne.s32 s0, s9;
	[sflag:s29] =	ssyncadd.s32 $0xFFFFC000  }
.Ltmp1:
0x8d: {  	[bflag:$0x0] =	sbarrier.arrive $0xFFFF;
	(pc) =	sbr.rel @p0 .LBB2_1-.Ltmp1, $4  }
0x8e: {  	[hbm:s8], [sflag:s12] =	dma.local [spmem:s13], $0x1400  }
0x8f: {  	_ =	swait.ge [sflag:s10], $0x1400  }
0x90: {  	[sflag:s10] =	ssyncset.done $0x0  }
0x91: {  	[sflag:s10] =	ssyncadd.s32 $0xFFFFEC00  }
0x92: {  	_ =	sfence.sel $0x180000  }
0x93: {  	[bflag:$0x0] =	sbarrier.arrive $0xFFFF  }
0x94: {  	_ =	strace $0x9000004D  }
0x95: {  	s0 =	stileid.u32;
	[bflag:$0x2] =	sbarrier.arrive $0xFFFF  }
0x96: {  	p0 =	sne.s32 s0, $0x0;
	s0 =	rddreg [dreg:$0x3]  }
0x97: {  	s0 =	sadd.s32 @!p0 $0x100000, s0  }
0x98: {  	[sflag:s0] =	ssyncadd.tile.s32 @!p0 $0x1;
	_ =	shalt  }
.Lfunc_end2:
_tile_overlayer_lowered:
.L_overlay_start_2:
0x99: {  	(tag) =	ssettag $0x2  }
0x9a: {  	s0 =	rddreg [dreg:$0x0];
	s2 =	stileid.u32  }
0x9b: {  	s1 =	rddreg [dreg:$0x1];
	p0 =	sne.s32 s2, $0x0  }
0x9c: {  	s3 =	rddreg [dreg:$0x2];
	[bflag:$0x3] =	sbarrier.arrive $0xFFFF;
	s2 =	simm.s32 @!p0 $0x1C07  }
0x9d: {  	[timem:s3], [sflag:s2] =	dma.local @!p0 [hbm:s0], s1  }
0x9e: {  	s0 =	simm.s32 @!p0 $0x7  }
0x9f: {  	_ =	swait.ge @!p0 [sflag:s0], s1  }
0xa0: {  	s1 =	ssub.s32 @!p0 $0x0, s1;
	[sflag:s0] =	ssyncset.done @!p0 $0x0  }
0xa1: {  	[sflag:s0] =	ssyncadd.s32 @!p0 s1  }
0xa2: {  	[bflag:$0x3] =	sbarrier.arrive $0xFFFF  }
0xa3: {  	_ =	shalt  }

// kernel: kernel.19.cloned.1.call-start
scs
__scs_entry_jumppad:
0x0: {  	(pc) =	sbr.rel $0x88, $3  }
0x1: {  	(tag) =	ssettag $0x0;
	lr =	simm.s32 $0x1  }
0x2: {  	[smem:$0x3F99] =	sst lr;
	_ =	strace $0xD0000000  }
0x3: {  	_ = 	snop  }
0x4: {  	_ = 	snop  }
0x5: {  	_ = 	snop  }
0x6: {  	_ = 	snop  }
0x7: {  	_ = 	snop  }
__scs_overlays_trampoline_lowered:
0x8: {  	[smem:$0x3FA8] =	sst s0  }
0x9: {  	[smem:$0x3FA9] =	sst s1  }
0xa: {  	[smem:$0x3FAA] =	sst s2  }
0xb: {  	[smem:$0x3FAB] =	sst s3  }
0xc: {  	[smem:$0x3FAC] =	sst s4  }
0xd: {  	[smem:$0x3FAD] =	sst s5  }
0xe: {  	[smem:$0x3FAE] =	sst s6  }
0xf: {  	[smem:$0x3FAF] =	sst s7  }
0x10: {  	[smem:$0x3FB0] =	sst s8  }
0x11: {  	[smem:$0x3FB1] =	sst s9;
	s0 =	simm.s32 @!p0 $0x0  }
0x12: {  	s1 =	sld [smem:$0x3F97];
	s0 =	simm.s32 @p0 $0x1  }
0x13: {  	[smem:$0x3FB2] =	sst s0;
	s0 =	simm.s32 @!p1 $0x0  }
0x14: {  	s2 =	sld [smem:$0x3F96];
	s0 =	simm.s32 @p1 $0x1  }
0x15: {  	[smem:$0x3FB3] =	sst s0;
	s0 =	simm.s32 @!p2 $0x0  }
0x16: {  	s3 =	sld [smem:$0x3FDB];
	s0 =	simm.s32 @p2 $0x1  }
0x17: {  	s4 =	simm.s32 $0x1BF5;
	[smem:$0x3FB5] =	sst s0  }
0x18: {  	s0 =	sld [smem:$0x3F98];
	_ =	swait.ge [sflag:s4], $0x0  }
0x19: {  	s7 =	sld [smem:$0x3F99]  }
0x1a: {  	s8 =	sadd.s32 $0xFFFFE003, lr  }
0x1b: {  	s9 =	sadd.s32 $0xFFFFFEF7, lr;
	s5 =	simm.s32 $0xFFFFFFFF;
	p2 =	slt.u32 s8, $0xFFFFF086  }
0x1c: {  	p1 =	slt.u32 s9, $0xF7A;
	s5 =	simm.s32 @!p2 $0x0  }
0x1d: {  	s5 =	simm.s32 @p1 $0x1;
	p0 =	seq.s32 s7, s2  }
0x1e: {  	s7 =	smul.u32 @!p0 $0xF7A, s2;
	p2 =	seq.s32 @!p0 s5, $0x0  }
0x1f: {  	s9 =	smul.u32 $0xF7A, s1;
	s8 =	simm.s32 @!p0 $0x1BF5;
	p2 =	por !p2, p0  }
0x20: {  	[sflag:s8] =	ssyncset.s32 @!p0 $0xFFFFF086;
	s6 =	sadd.s32 @!p0 s3, s7;
	s7 =	simm.s32 @!p0 $0x108  }
0x21: {  	s3 =	sadd.s32 s3, s9;
	s6 =	sadd.s32 @!p0 $0x88, s6;
	s7 =	simm.s32 @p2 $0x1082  }
0x22: {  	[simem:s7], [sflag:s8] =	dma.local @!p0 [hbm:s6], $0xF7A  }
0x23: {  	s9 =	sor.u32 $0xD0000000, s2;
	s6 =	simm.s32 $0x108;
	_ =	swait.ge @!p0 [sflag:s8], $0x0  }
0x24: {  	s3 =	sadd.s32 $0x88, s3;
	s6 =	simm.s32 @!p1 $0x1082;
	[sflag:s4] =	ssyncset.s32 $0xFFFFF086  }
0x25: {  	[simem:s6], [sflag:s4] =	dma.local [hbm:s3], $0xF7A  }
0x26: {  	[smem:$0x3F99] =	sst s1;
	(tag) =	ssettag s2;
	_ =	strace s9  }
0x27: {  	s1 =	sld [smem:$0x3FA9]  }
0x28: {  	s2 =	sld [smem:$0x3FAA]  }
0x29: {  	s4 =	sld [smem:$0x3FAC]  }
0x2a: {  	p0 =	seq.s32 s5, $0x0;
	s5 =	sld [smem:$0x3FAD]  }
0x2b: {  	s6 =	sld [smem:$0x3FAE]  }
0x2c: {  	s7 =	sld [smem:$0x3FAF]  }
0x2d: {  	s3 =	simm.s32 $0x108;
	s8 =	sld [smem:$0x3FB0]  }
0x2e: {  	s3 =	simm.s32 @!p0 $0x1082;
	s9 =	sld [smem:$0x3FB1]  }
0x2f: {  	lr =	sadd.s32 s0, s3;
	s0 =	sld [smem:$0x3FA8]  }
0x30: {  	s3 =	sld [smem:$0x3FAB]  }
0x31: {  	[smem:$0x3FB4] =	sst s10  }
0x32: {  	s10 =	sld [smem:$0x3FB2];
	_ =	sdelay $0x3  }
0x33: {  	p0 =	seq.s32 s10, $0x1;
	s10 =	sld [smem:$0x3FB4];
	_ =	sdelay $0x3  }
0x34: {  	[smem:$0x3FB4] =	sst s10  }
0x35: {  	s10 =	sld [smem:$0x3FB3];
	_ =	sdelay $0x3  }
0x36: {  	p1 =	seq.s32 s10, $0x1;
	s10 =	sld [smem:$0x3FB4];
	_ =	sdelay $0x3  }
0x37: {  	[smem:$0x3FB4] =	sst s10  }
0x38: {  	s10 =	sld [smem:$0x3FB5]  }
0x39: {  	_ = 	snop;
	(pc) =	sbr.ind lr, $3  }
0x3a: {  	_ = 	snop  }
0x3b: {  	_ = 	snop  }
0x3c: {  	p2 =	seq.s32 s10, $0x1;
	s10 =	sld [smem:$0x3FB4]  }
0x3d: {  	_ =	shalt  }
0x3e: {  	_ =	shalt  }
0x3f: {  	_ =	shalt  }
0x40: {  	_ =	shalt  }
0x41: {  	_ =	shalt  }
0x42: {  	_ =	shalt  }
0x43: {  	_ =	shalt  }
0x44: {  	_ =	shalt  }
0x45: {  	_ =	shalt  }
0x46: {  	_ =	shalt  }
0x47: {  	_ =	shalt  }
0x48: {  	_ =	shalt  }
0x49: {  	_ =	shalt  }
0x4a: {  	_ =	shalt  }
0x4b: {  	_ =	shalt  }
0x4c: {  	_ =	shalt  }
0x4d: {  	_ =	shalt  }
0x4e: {  	_ =	shalt  }
0x4f: {  	_ =	shalt  }
0x50: {  	_ =	shalt  }
0x51: {  	_ =	shalt  }
0x52: {  	_ =	shalt  }
0x53: {  	_ =	shalt  }
0x54: {  	_ =	shalt  }
0x55: {  	_ =	shalt  }
0x56: {  	_ =	shalt  }
0x57: {  	_ =	shalt  }
0x58: {  	_ =	shalt  }
0x59: {  	_ =	shalt  }
0x5a: {  	_ =	shalt  }
0x5b: {  	_ =	shalt  }
0x5c: {  	_ =	shalt  }
0x5d: {  	_ =	shalt  }
0x5e: {  	_ =	shalt  }
0x5f: {  	_ =	shalt  }
0x60: {  	_ =	shalt  }
0x61: {  	_ =	shalt  }
0x62: {  	_ =	shalt  }
0x63: {  	_ =	shalt  }
0x64: {  	_ =	shalt  }
0x65: {  	_ =	shalt  }
0x66: {  	_ =	shalt  }
0x67: {  	_ =	shalt  }
0x68: {  	_ =	shalt  }
0x69: {  	_ =	shalt  }
0x6a: {  	_ =	shalt  }
0x6b: {  	_ =	shalt  }
0x6c: {  	_ =	shalt  }
0x6d: {  	_ =	shalt  }
0x6e: {  	_ =	shalt  }
0x6f: {  	_ =	shalt  }
0x70: {  	_ =	shalt  }
0x71: {  	_ =	shalt  }
0x72: {  	_ =	shalt  }
0x73: {  	_ =	shalt  }
0x74: {  	_ =	shalt  }
0x75: {  	_ =	shalt  }
0x76: {  	_ =	shalt  }
0x77: {  	_ =	shalt  }
0x78: {  	_ =	shalt  }
0x79: {  	_ =	shalt  }
0x7a: {  	_ =	shalt  }
0x7b: {  	_ =	shalt  }
0x7c: {  	_ =	shalt  }
0x7d: {  	_ =	shalt  }
0x7e: {  	_ =	shalt  }
0x7f: {  	_ =	shalt  }
0x80: {  	_ =	shalt  }
0x81: {  	_ =	shalt  }
0x82: {  	_ =	shalt  }
0x83: {  	_ =	shalt  }
0x84: {  	_ =	shalt  }
0x85: {  	_ =	shalt  }
0x86: {  	_ =	shalt  }
0x87: {  	_ =	shalt  }
.Lfunc_end0:
.L_simem_size_0:
called_computation.3_lowered:
.L_overlay_start_0:
0x88: {  	s2 =	sld [smem:$0x3FD9]  }
0x89: {  	s3 =	sld [smem:$0x3FFE];
	_ =	sdelay $0x1  }
0x8a: {  	s1 =	srdreg.scid  }
0x8b: {  	s0 =	sand.u32 $0x1, s1  }
0x8c: {  	s17 =	sshll.u32 s0, $0xA;
	s2 =	sadd.s32 s3, s2  }
0x8d: {  	s2 =	sadd.s32 s2, s17  }
0x8e: {  	[smem:$0x3FC0] =	sst s2  }
0x8f: {  	_ = 	snop  }
0x90: {  	s2 =	sld [smem:$0x3FD0];
	(tm) =	ssettm $0x1  }
0x91: {  	s18 =	sld [smem:$0x3FFB];
	_ =	sdelay $0x3  }
0x92: {  	_ =	strace s18  }
0x93: {  	s3 =	sld [smem:$0x3FFC];
	_ =	sdelay $0x3  }
0x94: {  	_ =	strace s3  }
0x95: {  	s3 =	sld [smem:$0x3FFD];
	_ =	sdelay $0x3  }
0x96: {  	_ =	strace s3  }
0x97: {  	_ =	strace $0x8FFFFFFF  }
0x98: {  	s19 =	sld [smem:$0x3FDB];
	_ =	sdelay $0x1  }
0x99: {  	s4 =	simm.s32 $_scs_section_size  }
0x9a: {  	s5 =	simm.s32 $_size__tile_overlayer_lowered;
	s6 =	simm.s32 $_tile_overlayer_lowered  }
0x9b: {  	s22 =	simm.s32 $0x1BFF;
	s21 =	sshll.u32 s6, $0x1;
	s3 =	sadd.s32 s4, s19  }
0x9c: {  	s7 =	simm.s32 $0x0;
	s20 =	sshll.u32 s5, $0x1;
	s5 =	sadd.s32 s21, s3  }
0x9d: {  	[timem:s7], [sflag:s22] =	dma.local [hbm:s5], s20  }
0x9e: {  	_ =	swait.ge [sflag:s22], s20  }
0x9f: {  	s4 =	ssub.s32 $0x0, s20;
	[sflag:s22] =	ssyncset.done $0x0  }
0xa0: {  	[sflag:s22] =	ssyncadd.s32 s4;
	_ =	sdelay $0x1  }
0xa1: {  	s23 =	simm.s32 $0x1B8B  }
0xa2: {  	_ =	swait.ge [sflag:s23], $0x1  }
0xa3: {  	[sflag:s23] =	ssyncset.done $0x0  }
0xa4: {  	s25 =	simm.s32 $0x1B8E;
	s24 =	sld [smem:$0x3FFE];
	[sflag:s23] =	ssyncadd.s32 $0xFFFFFFFF  }
0xa5: {  	s26 =	simm.s32 $execute0_lowered;
	[smem:$0x3FD2] =	sst s25  }
0xa6: {  	s5 =	sshll.u32 s26, $0x1;
	_ =	strace $0x8000004F;
	[dreg:$0x1] =	wrdreg $0xFFFFFFFF  }
0xa7: {  	s28 =	simm.s32 $_size_execute0_lowered;
	s3 =	sadd.s32 s3, s5;
	[dreg:$0x0] =	wrdreg $0x0  }
0xa8: {  	s5 =	sshll.u32 s28, $0x1;
	[dreg:$0x2] =	wrdreg s3  }
0xa9: {  	[dreg:$0x3] =	wrdreg s5  }
0xaa: {  	[dreg:$0x4] =	wrdreg $0xC0  }
0xab: {  	_ =	task [dreg:s7], $0x5FFFF  }
0xac: {  	[dreg:$0x1] =	wrdreg $0xFFFFFFFF  }
0xad: {  	[dreg:$0x0] =	wrdreg $0x60  }
0xae: {  	[dreg:$0x2] =	wrdreg s24  }
0xaf: {  	[dreg:$0x3] =	wrdreg s2  }
0xb0: {  	[dreg:$0x4] =	wrdreg $0x138000  }
0xb1: {  	[dreg:$0x5] =	wrdreg $0x9  }
0xb2: {  	_ =	task.clear_ibuf [dreg:s7], $0x6FFFF;
	_ =	strace $0x9000004F  }
0xb3: {  	s29 =	simm.s32 $0x9;
	_ =	strace $0x80000051  }
0xb4: {  	_ =	swait.ge [sflag:s29], $0x1  }
0xb5: {  	[sflag:s29] =	ssyncadd.s32 $0xFFFFFFFF  }
0xb6: {  	_ =	strace $0x90000051  }
0xb7: {  	_ =	sfence  }
0xb8: {  	s30 =	sld [smem:$0x0];
	_ =	sdelay $0x2  }
0xb9: {  	s31 =	sshll.u32 s1, $0xD;
	s1 =	sshrl.u32 s1, $0x2  }
0xba: {  	s3 =	sand.u32 $0x4000, s31;
	s1 =	sadd.s32 s1, s30  }
0xbb: {  	s0 =	sor.u32 s3, s0;
	s1 =	sshll.u32 s1, $0x11  }
0xbc: {  	s0 =	sor.u32 s1, s0  }
0xbd: {  	s0 =	sadd.s32 $0x8F2B, s0  }
0xbe: {  	[sflag:s0] =	ssyncadd.remote.s32 $0x1  }
0xbf: {  	_ =	sfence.sel $0xFFFF  }
0xc0: {  	[dreg:$0x0] =	wrdreg $0xFFFFFFFF;
	(pc) =	sbr.abs _section_cstart, $3  }
0xc1: {  	[dreg:$0x1] =	wrdreg $0xFFFFFFFF  }
0xc2: {  	_ =	task.clear_ibuf [dreg:s7], $0x2FFFF;
	_ =	strace $0x9FFFFFFF  }
0xc3: {  	(tm) =	ssettm $0x7FFFFFFF  }
tec
execute0_lowered:
.L_overlay_start_1:
0x0: {  	(tag) =	ssettag $0x1  }
0x1: {  	s0 =	rddreg [dreg:$0x0]  }
0x2: {  	s1 =	srdreg.scid;
	s7 =	rddreg [dreg:$0x1]  }
0x3: {  	s2 =	rddreg [dreg:$0x2];
	s11 =	stileid.u32;
	s3 =	simm.s32 $0x0  }
0x4: {  	s14 =	simm.s32 $0x100;
	s15 =	simm.s32 $0x7800;
	s16 =	simm.s32 $0xB800  }
0x5: {  	s17 =	simm.s32 $0x1;
	s19 =	simm.s32 $0xF800;
	s20 =	simm.s32 $0x2  }
0x6: {  	s21 =	simm.s32 $0x4;
	s23 =	simm.s32 $0x3D00;
	s28 =	simm.s32 $0x3E00  }
0x7: {  	s29 =	simm.s32 $0x6;
	s30 =	simm.s32 $0x500;
	s31 =	simm.s32 $0x3F00  }
0x8: {  	s1 =	sand.u32 $0x1, s1;
	[smem:$0x7FF] =	sst s3;
	s10 =	smul.u32 $0x28000, s11  }
0x9: {  	s26 =	sshll.u32 s11, $0x6;
	s4 =	sshll.u32 s1, $0x4;
	_ =	strace $0x80000050  }
0xa: {  	s1 =	ssub.s32 $0x2, s1;
	s12 =	sor.u32 $0x1C07, s26;
	s26 =	simm.s32 $0x400  }
0xb: {  	s5 =	sor.u32 s11, s4;
	s4 =	sadd.s32 $0x16C00, s0;
	s24 =	sshrl.u32 s1, $0x1  }
0xc: {  	s25 =	sshrl.u32 s10, $0x2;
	s10 =	simm.s32 $0x7;
	s8 =	smul.u32 $0x780, s5  }
0xd: {  	s11 =	simm.s32 $0x3C00;
	s6 =	smul.u32 $0x1400, s5;
	s5 =	sadd.s32 $0x2600, s0  }
0xe: {  	s1 =	ssub.s32 s1, s24;
	s13 =	sadd.s32 s25, s2;
	s24 =	simm.s32 $0x3  }
0xf: {  	s25 =	simm.s32 $0x5;
	s13 =	sshrl.u32 s13, $0x3;
	s9 =	sadd.s32 s8, s0  }
0x10: {  	s0 =	sadd.s32 s6, s0;
	s7 =	sadd.s32 s7, s8;
	s6 =	sadd.s32 $0x7C00, s9  }
0x11: {  	s8 =	sadd.s32 $0x3DE00, s0;
	s9 =	smax.u32 s1, $0x1;
	s0 =	simm.s32 $0x0  }
.LBB2_1:
0x12: {  	[tilespmem:s3], [sflag:$0x7] =	stream.linear.gather [hbm4b:s6+s3], $0x3C00, $0x38;
	[tilespmem:$0x1D800] =	vst v63  }
0x13: {  	_ =	swait.ge [sflag:s10], $0x3C00  }
0x14: {  	[sflag:s10] =	ssyncset.done $0x0  }
0x15: {  	[sflag:s10] =	ssyncadd.s32 $0xFFFFC400  }
0x16: {  	[tilespmem:s11], [sflag:$0x7] =	stream.linear.gather [hbm4b:s7+s3], $0x3C00, $0x38;
	[tilespmem:$0x1D800] =	vst v63  }
0x17: {  	_ =	swait.ge [sflag:s10], $0x3C00  }
0x18: {  	[sflag:s10] =	ssyncset.done $0x0  }
0x19: {  	[sflag:s10] =	ssyncadd.s32 $0xFFFFC400  }
0x1a: {  	[spmem:s13], [sflag:s12] =	dma.local [hbm:s5], $0x1400  }
0x1b: {  	_ =	swait.ge [sflag:s10], $0x1400  }
0x1c: {  	[sflag:s10] =	ssyncset.done $0x0  }
0x1d: {  	[sflag:s10] =	ssyncadd.s32 $0xFFFFEC00  }
0x1e: {  	[bflag:$0x0] =	sbarrier.arrive $0xFFFF  }
0x1f: {  	[tilespmem:s15], [sflag:$0x1] =	stream.indirect.gather [hbm4b:s4+s14], $0x40, s3, s14, $0xb8;
	[tilespmem:$0x1D800] =	vst v63  }
0x20: {  	_ = 	snop  }
0x21: {  	[tilespmem:s16], [sflag:$0x2] =	stream.indirect.gather [hbm4b:s4+s14], $0x40, s14, s14, $0xb8;
	[tilespmem:$0x1D800] =	vst v63  }
0x22: {  	_ =	swait.ge [sflag:s17], $0x4000  }
0x23: {  	[sflag:s17] =	ssyncset.done $0x0  }
0x24: {  	s1 =	simm.s32 $0x200;
	[sflag:s17] =	ssyncadd.s32 $0xFFFFC000  }
0x25: {  	[tilespmem:s19], [sflag:$0x3] =	stream.indirect.gather [hbm4b:s4+s14], $0x40, s1, s14, $0xb8;
	[tilespmem:$0x1D800] =	vst v63  }
0x26: {  	_ = 	snop  }
0x27: {  	[spmem:s2] =	stream.indirect.scatter.add.f32 [tilespmem:s15], [sflag:$0x4], $0x40, s11, s14, $0xb8;
	[tilespmem:$0x1D800] =	vst v63  }
0x28: {  	_ =	swait.ge [sflag:s20], $0x4000  }
0x29: {  	[sflag:s20] =	ssyncset.done $0x0  }
0x2a: {  	[sflag:s20] =	ssyncadd.s32 $0xFFFFC000  }
0x2b: {  	_ =	swait.ge [sflag:s21], $0x4000  }
0x2c: {  	[sflag:s21] =	ssyncset.done $0x0  }
0x2d: {  	s22 =	simm.s32 $0x300;
	[sflag:s21] =	ssyncadd.s32 $0xFFFFC000  }
0x2e: {  	[tilespmem:s15], [sflag:$0x1] =	stream.indirect.gather [hbm4b:s4+s14], $0x40, s22, s14, $0xb8;
	[tilespmem:$0x1D800] =	vst v63  }
0x2f: {  	_ = 	snop  }
0x30: {  	[spmem:s2] =	stream.indirect.scatter.add.f32 [tilespmem:s16], [sflag:$0x5], $0x40, s23, s14, $0xb8;
	[tilespmem:$0x1D800] =	vst v63  }
0x31: {  	_ =	swait.ge [sflag:s24], $0x4000  }
0x32: {  	[sflag:s24] =	ssyncset.done $0x0  }
0x33: {  	[sflag:s24] =	ssyncadd.s32 $0xFFFFC000  }
0x34: {  	_ =	swait.ge [sflag:s25], $0x4000  }
0x35: {  	[sflag:s25] =	ssyncset.done $0x0  }
0x36: {  	[sflag:s25] =	ssyncadd.s32 $0xFFFFC000  }
0x37: {  	[tilespmem:s16], [sflag:$0x2] =	stream.indirect.gather [hbm4b:s4+s14], $0x40, s26, s14, $0xb8;
	[tilespmem:$0x1D800] =	vst v63  }
0x38: {  	_ = 	snop  }
0x39: {  	[spmem:s2] =	stream.indirect.scatter.add.f32 [tilespmem:s19], [sflag:$0x6], $0x40, s28, s14, $0xb8;
	[tilespmem:$0x1D800] =	vst v63  }
0x3a: {  	_ =	swait.ge [sflag:s17], $0x4000  }
0x3b: {  	[sflag:s17] =	ssyncset.done $0x0  }
0x3c: {  	[sflag:s17] =	ssyncadd.s32 $0xFFFFC000  }
0x3d: {  	_ =	swait.ge [sflag:s29], $0x4000  }
0x3e: {  	[sflag:s29] =	ssyncset.done $0x0  }
0x3f: {  	[sflag:s29] =	ssyncadd.s32 $0xFFFFC000  }
0x40: {  	[tilespmem:s19], [sflag:$0x3] =	stream.indirect.gather [hbm4b:s4+s14], $0x40, s30, s14, $0xb8;
	[tilespmem:$0x1D800] =	vst v63  }
0x41: {  	_ = 	snop  }
0x42: {  	[spmem:s2] =	stream.indirect.scatter.add.f32 [tilespmem:s15], [sflag:$0x4], $0x40, s31, s14, $0xb8;
	[tilespmem:$0x1D800] =	vst v63  }
0x43: {  	_ =	swait.ge [sflag:s20], $0x4000  }
0x44: {  	[sflag:s20] =	ssyncset.done $0x0  }
0x45: {  	[sflag:s20] =	ssyncadd.s32 $0xFFFFC000  }
0x46: {  	_ =	swait.ge [sflag:s21], $0x4000  }
0x47: {  	[sflag:s21] =	ssyncset.done $0x0  }
0x48: {  	s18 =	simm.s32 $0x600;
	[sflag:s21] =	ssyncadd.s32 $0xFFFFC000  }
0x49: {  	[tilespmem:s15], [sflag:$0x1] =	stream.indirect.gather [hbm4b:s4+s14], $0x40, s18, s14, $0xb8;
	[tilespmem:$0x1D800] =	vst v63  }
0x4a: {  	s22 =	simm.s32 $0x4000  }
0x4b: {  	[spmem:s2] =	stream.indirect.scatter.add.f32 [tilespmem:s16], [sflag:$0x5], $0x40, s22, s14, $0xb8;
	[tilespmem:$0x1D800] =	vst v63  }
0x4c: {  	_ =	swait.ge [sflag:s24], $0x4000  }
0x4d: {  	[sflag:s24] =	ssyncset.done $0x0  }
0x4e: {  	[sflag:s24] =	ssyncadd.s32 $0xFFFFC000  }
0x4f: {  	_ =	swait.ge [sflag:s25], $0x4000  }
0x50: {  	[sflag:s25] =	ssyncset.done $0x0  }
0x51: {  	s18 =	simm.s32 $0x700;
	[sflag:s25] =	ssyncadd.s32 $0xFFFFC000  }
0x52: {  	[tilespmem:s16], [sflag:$0x2] =	stream.indirect.gather [hbm4b:s4+s14], $0x40, s18, s14, $0xb8;
	[tilespmem:$0x1D800] =	vst v63  }
0x53: {  	s22 =	simm.s32 $0x4100  }
0x54: {  	[spmem:s2] =	stream.indirect.scatter.add.f32 [tilespmem:s19], [sflag:$0x6], $0x40, s22, s14, $0xb8;
	[tilespmem:$0x1D800] =	vst v63  }
0x55: {  	_ =	swait.ge [sflag:s17], $0x4000  }
0x56: {  	[sflag:s17] =	ssyncset.done $0x0  }
0x57: {  	[sflag:s17] =	ssyncadd.s32 $0xFFFFC000  }
0x58: {  	_ =	swait.ge [sflag:s29], $0x4000  }
0x59: {  	[sflag:s29] =	ssyncset.done $0x0  }
0x5a: {  	s18 =	simm.s32 $0x800;
	[sflag:s29] =	ssyncadd.s32 $0xFFFFC000  }
0x5b: {  	[tilespmem:s19], [sflag:$0x3] =	stream.indirect.gather [hbm4b:s4+s14], $0x40, s18, s14, $0xb8;
	[tilespmem:$0x1D800] =	vst v63  }
0x5c: {  	s22 =	simm.s32 $0x4200  }
0x5d: {  	[spmem:s2] =	stream.indirect.scatter.add.f32 [tilespmem:s15], [sflag:$0x4], $0x40, s22, s14, $0xb8;
	[tilespmem:$0x1D800] =	vst v63  }
0x5e: {  	_ =	swait.ge [sflag:s20], $0x4000  }
0x5f: {  	s1 =	simm.s32 $0xC00;
	[sflag:s20] =	ssyncset.done $0x0  }
.LBB2_2:
0x60: {  	[sflag:s20] =	ssyncadd.s32 $0xFFFFC000;
	s18 =	smov.u32 s1;
	s1 =	sadd.s32 $0xC00, s1  }
0x61: {  	p0 =	sne.s32 s1, $0xD800  }
0x62: {  	_ =	swait.ge [sflag:s21], $0x4000  }
0x63: {  	s18 =	sshra.s32 s18, $0x2;
	[sflag:s21] =	ssyncset.done $0x0  }
0x64: {  	s22 =	sadd.s32 $0x600, s18;
	[sflag:s21] =	ssyncadd.s32 $0xFFFFC000  }
0x65: {  	[tilespmem:s15], [sflag:$0x1] =	stream.indirect.gather [hbm4b:s4+s14], $0x40, s22, s14, $0xb8;
	[tilespmem:$0x1D800] =	vst v63  }
0x66: {  	s22 =	sadd.s32 $0x4000, s18  }
0x67: {  	[spmem:s2] =	stream.indirect.scatter.add.f32 [tilespmem:s16], [sflag:$0x5], $0x40, s22, s14, $0xb8;
	[tilespmem:$0x1D800] =	vst v63  }
0x68: {  	_ =	swait.ge [sflag:s24], $0x4000  }
0x69: {  	[sflag:s24] =	ssyncset.done $0x0  }
0x6a: {  	[sflag:s24] =	ssyncadd.s32 $0xFFFFC000  }
0x6b: {  	_ =	swait.ge [sflag:s25], $0x4000  }
0x6c: {  	[sflag:s25] =	ssyncset.done $0x0  }
0x6d: {  	s22 =	sadd.s32 $0x700, s18;
	[sflag:s25] =	ssyncadd.s32 $0xFFFFC000  }
0x6e: {  	[tilespmem:s16], [sflag:$0x2] =	stream.indirect.gather [hbm4b:s4+s14], $0x40, s22, s14, $0xb8;
	[tilespmem:$0x1D800] =	vst v63  }
0x6f: {  	s22 =	sadd.s32 $0x4100, s18  }
0x70: {  	[spmem:s2] =	stream.indirect.scatter.add.f32 [tilespmem:s19], [sflag:$0x6], $0x40, s22, s14, $0xb8;
	[tilespmem:$0x1D800] =	vst v63  }
0x71: {  	_ =	swait.ge [sflag:s17], $0x4000  }
0x72: {  	[sflag:s17] =	ssyncset.done $0x0  }
0x73: {  	[sflag:s17] =	ssyncadd.s32 $0xFFFFC000  }
0x74: {  	_ =	swait.ge [sflag:s29], $0x4000  }
0x75: {  	[sflag:s29] =	ssyncset.done $0x0  }
0x76: {  	s22 =	sadd.s32 $0x800, s18;
	[sflag:s29] =	ssyncadd.s32 $0xFFFFC000  }
0x77: {  	[tilespmem:s19], [sflag:$0x3] =	stream.indirect.gather [hbm4b:s4+s14], $0x40, s22, s14, $0xb8;
	[tilespmem:$0x1D800] =	vst v63  }
.Ltmp0:
0x78: {  	_ = 	snop;
	(pc) =	sbr.rel @p0 .LBB2_2-.Ltmp0, $4  }
0x79: {  	s18 =	sadd.s32 $0x4200, s18  }
0x7a: {  	[spmem:s2] =	stream.indirect.scatter.add.f32 [tilespmem:s15], [sflag:$0x4], $0x40, s18, s14, $0xb8;
	[tilespmem:$0x1D800] =	vst v63  }
0x7b: {  	_ =	swait.ge [sflag:s20], $0x4000  }
0x7c: {  	[sflag:s20] =	ssyncset.done $0x0  }
0x7d: {  	s1 =	sshra.s32 s1, $0x2  }
0x7e: {  	[sflag:s20] =	ssyncadd.s32 $0xFFFFC000;
	s18 =	sadd.s32 $0x4000, s1  }
0x7f: {  	[spmem:s2] =	stream.indirect.scatter.add.f32 [tilespmem:s16], [sflag:$0x5], $0x40, s18, s14, $0xb8;
	[tilespmem:$0x1D800] =	vst v63  }
0x80: {  	_ =	swait.ge [sflag:s24], $0x4000  }
0x81: {  	[sflag:s24] =	ssyncset.done $0x0  }
0x82: {  	s1 =	sadd.s32 $0x4100, s1;
	[sflag:s24] =	ssyncadd.s32 $0xFFFFC000  }
0x83: {  	[spmem:s2] =	stream.indirect.scatter.add.f32 [tilespmem:s19], [sflag:$0x6], $0x40, s1, s14, $0xb8;
	[tilespmem:$0x1D800] =	vst v63  }
0x84: {  	_ =	swait.ge [sflag:s21], $0x4000  }
0x85: {  	[sflag:s21] =	ssyncset.done $0x0  }
0x86: {  	[sflag:s21] =	ssyncadd.s32 $0xFFFFC000  }
0x87: {  	_ =	swait.ge [sflag:s25], $0x4000  }
0x88: {  	[sflag:s25] =	ssyncset.done $0x0  }
0x89: {  	[sflag:s25] =	ssyncadd.s32 $0xFFFFC000  }
0x8a: {  	_ =	swait.ge [sflag:s29], $0x4000  }
0x8b: {  	s0 =	sadd.s32 $0x1, s0;
	[sflag:s29] =	ssyncset.done $0x0  }
0x8c: {  	p0 =	sne.s32 s0, s9;
	[sflag:s29] =	ssyncadd.s32 $0xFFFFC000  }
.Ltmp1:
0x8d: {  	[bflag:$0x0] =	sbarrier.arrive $0xFFFF;
	(pc) =	sbr.rel @p0 .LBB2_1-.Ltmp1, $4  }
0x8e: {  	[hbm:s8], [sflag:s12] =	dma.local [spmem:s13], $0x1400  }
0x8f: {  	_ =	swait.ge [sflag:s10], $0x1400  }
0x90: {  	[sflag:s10] =	ssyncset.done $0x0  }
0x91: {  	[sflag:s10] =	ssyncadd.s32 $0xFFFFEC00  }
0x92: {  	_ =	sfence.sel $0x180000  }
0x93: {  	[bflag:$0x0] =	sbarrier.arrive $0xFFFF  }
0x94: {  	_ =	strace $0x90000050  }
0x95: {  	s0 =	stileid.u32;
	[bflag:$0x2] =	sbarrier.arrive $0xFFFF  }
0x96: {  	p0 =	sne.s32 s0, $0x0;
	s0 =	rddreg [dreg:$0x3]  }
0x97: {  	s0 =	sadd.s32 @!p0 $0x100000, s0  }
0x98: {  	[sflag:s0] =	ssyncadd.tile.s32 @!p0 $0x1;
	_ =	shalt  }
.Lfunc_end2:
_tile_overlayer_lowered:
.L_overlay_start_2:
0x99: {  	(tag) =	ssettag $0x2  }
0x9a: {  	s0 =	rddreg [dreg:$0x0];
	s2 =	stileid.u32  }
0x9b: {  	s1 =	rddreg [dreg:$0x1];
	p0 =	sne.s32 s2, $0x0  }
0x9c: {  	s3 =	rddreg [dreg:$0x2];
	[bflag:$0x3] =	sbarrier.arrive $0xFFFF;
	s2 =	simm.s32 @!p0 $0x1C07  }
0x9d: {  	[timem:s3], [sflag:s2] =	dma.local @!p0 [hbm:s0], s1  }
0x9e: {  	s0 =	simm.s32 @!p0 $0x7  }
0x9f: {  	_ =	swait.ge @!p0 [sflag:s0], s1  }
0xa0: {  	s1 =	ssub.s32 @!p0 $0x0, s1;
	[sflag:s0] =	ssyncset.done @!p0 $0x0  }
0xa1: {  	[sflag:s0] =	ssyncadd.s32 @!p0 s1  }
0xa2: {  	[bflag:$0x3] =	sbarrier.arrive $0xFFFF  }
0xa3: {  	_ =	shalt  }

</sc_bundles>
